<compile_context>
chip_gen: v7x
topology: tpu7x:2x2x1
jax: 0.10.2.dev20260603
libtpu: 0.0.44.dev20260713+nightly
codegen_flags: <defaults>
</compile_context>

<pallas_src>
import functools

import jax
import jax.numpy as jnp
from jax import lax
from jax.experimental import pallas as pl
from jax.experimental.pallas import tpu as pltpu
from jax.experimental.pallas import tpu_sc as plsc

N_NODES = 100000
N_EDGES = 1600000
D_NODE = 128
D_EDGE = 16
N_GRAPHS = 64
NSEG = N_GRAPHS + 1
TRASH = N_GRAPHS

NW = 32

NB = 256
N_BLOCKS = 12
N_PER_W = N_BLOCKS * NB
N_EXTRA_BASE = NW * N_PER_W
N_TAIL_BASE = 99840
N_TAIL_ROWS = N_NODES - N_TAIL_BASE
N_PAD = 100096

EBLK = 160000
E_GRID = N_EDGES // EBLK


def _sc_body(x_hbm, nidx_hbm, zn_hbm, outn_hbm,
             ndata, nidx_b, acc_n, sem0, sem1):
    cid = lax.axis_index("c")
    sid = lax.axis_index("s")
    w = sid * 2 + cid
    sems = (sem0, sem1)

    @pl.when(sid == 0)
    def _():
        pltpu.sync_copy(zn_hbm, acc_n)

    plsc.subcore_barrier()

    def n_start(i, buf):
        base = pl.multiple_of(w * N_PER_W + i * NB, 128)
        pltpu.async_copy(x_hbm.at[pl.ds(base, NB)], ndata.at[buf], sems[buf])
        pltpu.async_copy(nidx_hbm.at[pl.ds(base, NB)], nidx_b.at[buf],
                         sems[buf])

    def n_wait(buf):
        pltpu.make_async_copy(x_hbm.at[pl.ds(0, NB)], ndata.at[buf],
                              sems[buf]).wait()
        pltpu.make_async_copy(nidx_hbm.at[pl.ds(0, NB)], nidx_b.at[buf],
                              sems[buf]).wait()

    def n_scat(buf):
        pltpu.sync_copy(ndata.at[buf], acc_n.at[nidx_b.at[buf]], add=True)

    n_start(0, 0)

    def n_pair(p, carry):
        n_start(2 * p + 1, 1)
        n_wait(0)
        n_scat(0)

        @pl.when(p < N_BLOCKS // 2 - 1)
        def _():
            n_start(2 * p + 2, 0)

        n_wait(1)
        n_scat(1)
        return carry

    lax.fori_loop(0, N_BLOCKS // 2, n_pair, 0)

    @pl.when(w == 0)
    def _():
        def body(k, carry):
            base = pl.multiple_of(N_EXTRA_BASE + k * NB, 128)
            pltpu.sync_copy(x_hbm.at[pl.ds(base, NB)], ndata.at[0])
            pltpu.sync_copy(nidx_hbm.at[pl.ds(base, NB)], nidx_b.at[0])
            n_scat(0)
            return carry

        lax.fori_loop(0, 4, body, 0)

    @pl.when(w == 1)
    def _():
        for base in (99328, 99584):
            pltpu.sync_copy(x_hbm.at[pl.ds(base, NB)], ndata.at[0])
            pltpu.sync_copy(nidx_hbm.at[pl.ds(base, NB)], nidx_b.at[0])
            n_scat(0)
        pltpu.sync_copy(x_hbm.at[pl.ds(N_TAIL_BASE, N_TAIL_ROWS)],
                        ndata.at[0, pl.ds(0, N_TAIL_ROWS)])
        pltpu.sync_copy(nidx_hbm.at[pl.ds(N_TAIL_BASE, NB)], nidx_b.at[0])
        n_scat(0)

    plsc.subcore_barrier()

    @pl.when(sid == 0)
    def _():
        pltpu.sync_copy(acc_n.at[pl.ds(0, N_GRAPHS)], outn_hbm.at[cid])


_sc_node_sums = functools.partial(
    pl.kernel,
    out_type=jax.ShapeDtypeStruct((2, N_GRAPHS, D_NODE), jnp.float32),
    mesh=plsc.VectorSubcoreMesh(core_axis_name="c", subcore_axis_name="s",
                                num_cores=2, num_subcores=16),
    compiler_params=pltpu.CompilerParams(use_tc_tiling_on_sc=False),
    scratch_types=[
        pltpu.VMEM((2, NB, D_NODE), jnp.float32),
        pltpu.VMEM((2, NB), jnp.int32),
        pltpu.VMEM_SHARED((NSEG, D_NODE), jnp.float32),
        pltpu.SemaphoreType.DMA,
        pltpu.SemaphoreType.DMA,
    ],
)(_sc_body)


ESUB = 20000


def _edge_body(et_ref, idx_ref, out_ref):
    i = pl.program_id(0)

    @pl.when(i == 0)
    def _():
        out_ref[...] = jnp.zeros_like(out_ref)

    ids = idx_ref[0].astype(jnp.int16)
    segs = jax.lax.broadcasted_iota(jnp.int16, (N_GRAPHS, ESUB), 0)
    etb = et_ref[...].astype(jnp.bfloat16)
    acc = jnp.zeros((N_GRAPHS, D_EDGE), jnp.float32)
    for r in range(EBLK // ESUB):
        onehot = jnp.where(ids[r:r + 1, :] == segs, jnp.bfloat16(1),
                           jnp.bfloat16(0))
        acc += jax.lax.dot_general(
            onehot, etb[:, r * ESUB:(r + 1) * ESUB],
            (((1,), (1,)), ((), ())), preferred_element_type=jnp.float32)
    out_ref[...] += acc


def _mlp_body(u_ref, pn_ref, pe_ref, w1_ref, b1_ref, w2_ref, b2_ref,
              g_ref, bt_ref, out_ref):
    nodes = pn_ref[0] + pn_ref[1]
    h = (jnp.dot(u_ref[...], w1_ref[0:32, :],
                 preferred_element_type=jnp.float32)
         + jnp.dot(nodes, w1_ref[32:160, :],
                   preferred_element_type=jnp.float32)
         + jnp.dot(pe_ref[...], w1_ref[160:176, :],
                   preferred_element_type=jnp.float32)
         + b1_ref[...])
    h = jnp.maximum(h, 0.0)
    h = jnp.dot(h, w2_ref[...], preferred_element_type=jnp.float32) + b2_ref[...]
    mean = jnp.mean(h, axis=-1, keepdims=True)
    var = jnp.mean((h - mean) ** 2, axis=-1, keepdims=True)
    out_ref[...] = ((h - mean) * jax.lax.rsqrt(var + 1e-5) * g_ref[...]
                    + bt_ref[...])


def kernel(x, edge_index, edge_attr, u, node_index, W1, b1, W2, b2,
           ln_gamma, ln_beta):
    nidx_pad = jnp.concatenate(
        [node_index, jnp.full((N_PAD - N_NODES,), TRASH, dtype=jnp.int32)])
    zn = jnp.zeros((NSEG, D_NODE), jnp.float32)

    pn = _sc_node_sums(x, nidx_pad, zn)

    et = edge_attr.T
    eidx3 = edge_index.reshape(E_GRID, EBLK // ESUB, ESUB)
    eagg = pl.pallas_call(
        _edge_body,
        grid=(E_GRID,),
        in_specs=[
            pl.BlockSpec((D_EDGE, EBLK), lambda i: (0, i)),
            pl.BlockSpec((1, EBLK // ESUB, ESUB), lambda i: (i, 0, 0)),
        ],
        out_specs=pl.BlockSpec((N_GRAPHS, D_EDGE), lambda i: (0, 0)),
        out_shape=jax.ShapeDtypeStruct((N_GRAPHS, D_EDGE), jnp.float32),
    )(et, eidx3)

    out = pl.pallas_call(
        _mlp_body,
        out_shape=jax.ShapeDtypeStruct((N_GRAPHS, 128), jnp.float32),
    )(u, pn, eagg, W1, b1.reshape(1, -1), W2, b2.reshape(1, -1),
      ln_gamma.reshape(1, -1), ln_beta.reshape(1, -1))
    return out

# --- scband reference (transcript-rebuilt; emitter-appended) ---
"""Pipeline reference for scband-global-model-74242804679408 (READ-ONLY COPY).

The authoritative reference and input builder live on the scoring server;
editing this copy changes nothing except your own understanding.
"""

import jax, jax.numpy as jnp
import numpy as np

N_NODES = 100000
N_EDGES = 1600000
D_NODE = 128
D_EDGE = 16
D_U = 32
N_GRAPHS = 64
N_GLOBAL = 176  # D_U + D_NODE + D_EDGE
N_HIDDEN = 128


def setup_inputs(seed: int = 0) -> dict:
    key = jax.random.key(seed)
    ks = jax.random.split(key, 12)
    x = jax.random.normal(ks[0], (N_NODES, D_NODE), dtype=jnp.float32)
    edge_index = jnp.sort(jax.random.randint(ks[1], (N_EDGES,), 0, N_GRAPHS, dtype=jnp.int32))
    edge_attr = jax.random.normal(ks[2], (N_EDGES, D_EDGE), dtype=jnp.float32)
    u = jax.random.normal(ks[3], (N_GRAPHS, D_U), dtype=jnp.float32)
    node_index = jnp.sort(jax.random.randint(ks[4], (N_NODES,), 0, N_GRAPHS, dtype=jnp.int32))
    # learned parameters of global_mlp_2: Linear(176,128) -> ReLU -> Linear(128,128) -> LayerNorm(128)
    W1 = jax.random.normal(ks[5], (N_GLOBAL, N_HIDDEN), dtype=jnp.float32) * (1.0 / np.sqrt(N_GLOBAL))
    b1 = jnp.zeros((N_HIDDEN,), dtype=jnp.float32)
    W2 = jax.random.normal(ks[6], (N_HIDDEN, N_HIDDEN), dtype=jnp.float32) * (1.0 / np.sqrt(N_HIDDEN))
    b2 = jnp.zeros((N_HIDDEN,), dtype=jnp.float32)
    ln_gamma = jnp.ones((N_HIDDEN,), dtype=jnp.float32)
    ln_beta = jnp.zeros((N_HIDDEN,), dtype=jnp.float32)
    return {
        "x": x,
        "edge_index": edge_index,
        "edge_attr": edge_attr,
        "u": u,
        "node_index": node_index,
        "W1": W1,
        "b1": b1,
        "W2": W2,
        "b2": b2,
        "ln_gamma": ln_gamma,
        "ln_beta": ln_beta,
    }


def reference(x, edge_index, edge_attr, u, node_index, W1, b1, W2, b2, ln_gamma, ln_beta):
    # SumAggregation over node batch ids and edge batch ids (segment sums)
    nodes_agg = jax.ops.segment_sum(x, node_index, num_segments=N_GRAPHS)
    edges_agg = jax.ops.segment_sum(edge_attr, edge_index, num_segments=N_GRAPHS)
    u_cat = jnp.concatenate([u, nodes_agg, edges_agg], axis=1)
    h = u_cat @ W1 + b1
    h = jnp.maximum(h, 0.0)
    h = h @ W2 + b2
    mean = jnp.mean(h, axis=-1, keepdims=True)
    var = jnp.var(h, axis=-1, keepdims=True)
    out = (h - mean) / jnp.sqrt(var + 1e-5) * ln_gamma + ln_beta
    return out

if __name__ == "__main__":
    import jax
    _d = setup_inputs()
    print(jax.jit(kernel)(*tuple(_d.values())))

</pallas_src>

<mosaic_0001>
#map = affine_map<(d0, d1) -> (0, 0)>
#map1 = affine_map<(d0, d1) -> (0)>
#map2 = affine_map<(d0, d1) -> (0, 0, 0)>
module attributes {stable_mosaic.version = 14 : i64} {
  func.func @_sc_body(%arg0: i32, %arg1: i32, %arg2: memref<100000x128xf32, #tpu.memory_space<hbm>>, %arg3: memref<100096xi32, #tpu.memory_space<hbm>>, %arg4: memref<65x128xf32, #tpu.memory_space<hbm>>, %arg5: memref<2x64x128xf32, #tpu.memory_space<hbm>>, %arg6: memref<2x256x128xf32, #tpu.memory_space<vmem>>, %arg7: memref<2x256xi32, #tpu.memory_space<vmem>>, %arg8: memref<65x128xf32, #tpu.memory_space<vmem_shared>>, %arg9: memref<!tpu.dma_semaphore, #tpu.memory_space<semaphore_mem>>, %arg10: memref<!tpu.dma_semaphore, #tpu.memory_space<semaphore_mem>>) attributes {dimension_semantics = [#tpu.dimension_semantics<core_parallel>, #tpu.dimension_semantics<subcore_parallel>], iteration_bounds = array<i64: 2, 16>, scalar_prefetch = 0 : i64, scratch_operands = 5 : i64, tpu.core_type = #tpu.core_type<sc_vector_subcore>, window_params = [{transform_indices = #map}, {transform_indices = #map1}, {transform_indices = #map}, {transform_indices = #map2}]} {
    %mul3A = arith.constant 2 : i32
    %mul3A_0 = arith.muli %arg1, %mul3A : i32
    %add3A = arith.addi %mul3A_0, %arg0 : i32
    %eq3A = arith.constant 0 : i32
    %eq3A_1 = arith.cmpi eq, %arg1, %eq3A : i32
    %convert_element_type3A = arith.extui %eq3A_1 : i1 to i32
    %cond3A = arith.constant 0 : i32
    %cond3A_2 = arith.cmpi ne, %convert_element_type3A, %cond3A : i32
    scf.if %cond3A_2 {
      "tpu.region"() ({
        %run_scoped3A = tpu.sem_alloc : memref<!tpu.dma_semaphore, #tpu.memory_space<semaphore_mem>>
        tpu.enqueue_dma source(%arg4 : memref<65x128xf32, #tpu.memory_space<hbm>>) target(%arg8 : memref<65x128xf32, #tpu.memory_space<vmem_shared>>) target_semaphore(%run_scoped3A : memref<!tpu.dma_semaphore, #tpu.memory_space<semaphore_mem>>)
        tpu.wait_dma2 semaphore(%run_scoped3A : memref<!tpu.dma_semaphore, #tpu.memory_space<semaphore_mem>>) src(%arg4 : memref<65x128xf32, #tpu.memory_space<hbm>>) dst(%arg8 : memref<65x128xf32, #tpu.memory_space<vmem_shared>>)
        tpu.yield
      }) : () -> ()
    } else {
    }
    %barrier3A = arith.constant 0 : index
    tpu.barrier barrier_id(%barrier3A)
    %mul3A_3 = arith.constant 3072 : i32
    %mul3A_4 = arith.muli %add3A, %mul3A_3 : i32
    %add3A_5 = arith.constant 0 : i32
    %add3A_6 = arith.addi %mul3A_4, %add3A_5 : i32
    %multiple_of3A = tpu.assume_multiple %add3A_6, 128 : i32
    %dma_start3A = arith.constant 0 : i32
    %dma_start3A_7 = arith.constant 0 : i32
    %dma_start3A_8 = arith.constant 0 : i32
    %dma_start3A_9 = tpu.memref_slice %arg6[%dma_start3A, %dma_start3A_7, %dma_start3A_8] : memref<2x256x128xf32, #tpu.memory_space<vmem>> -> memref<1x256x128xf32, #tpu.memory_space<vmem>>
    %dma_start3A_10 = tpu.memref_squeeze %dma_start3A_9 : memref<1x256x128xf32, #tpu.memory_space<vmem>> -> memref<256x128xf32, #tpu.memory_space<vmem>>
    %dma_start3A_11 = arith.constant 0 : i32
    %dma_start3A_12 = tpu.memref_slice %arg2[%multiple_of3A, %dma_start3A_11] : memref<100000x128xf32, #tpu.memory_space<hbm>> -> memref<256x128xf32, #tpu.memory_space<hbm>>
    %dma_start3A_13 = arith.constant 0 : i32
    %dma_start3A_14 = arith.constant 0 : i32
    %dma_start3A_15 = tpu.memref_slice %arg6[%dma_start3A, %dma_start3A_13, %dma_start3A_14] : memref<2x256x128xf32, #tpu.memory_space<vmem>> -> memref<1x256x128xf32, #tpu.memory_space<vmem>>
    %dma_start3A_16 = tpu.memref_squeeze %dma_start3A_15 : memref<1x256x128xf32, #tpu.memory_space<vmem>> -> memref<256x128xf32, #tpu.memory_space<vmem>>
    %dma_start3A_17 = arith.constant 0 : i32
    %dma_start3A_18 = tpu.memref_slice %arg2[%multiple_of3A, %dma_start3A_17] : memref<100000x128xf32, #tpu.memory_space<hbm>> -> memref<256x128xf32, #tpu.memory_space<hbm>>
    tpu.enqueue_dma source(%dma_start3A_18 : memref<256x128xf32, #tpu.memory_space<hbm>>) target(%dma_start3A_16 : memref<256x128xf32, #tpu.memory_space<vmem>>) target_semaphore(%arg9 : memref<!tpu.dma_semaphore, #tpu.memory_space<semaphore_mem>>)
    %dma_start3A_19 = arith.constant 0 : i32
    %dma_start3A_20 = arith.constant 0 : i32
    %dma_start3A_21 = tpu.memref_slice %arg7[%dma_start3A_19, %dma_start3A_20] : memref<2x256xi32, #tpu.memory_space<vmem>> -> memref<1x256xi32, #tpu.memory_space<vmem>>
    %dma_start3A_22 = tpu.memref_squeeze %dma_start3A_21 : memref<1x256xi32, #tpu.memory_space<vmem>> -> memref<256xi32, #tpu.memory_space<vmem>>
    %dma_start3A_23 = tpu.memref_slice %arg3[%multiple_of3A] : memref<100096xi32, #tpu.memory_space<hbm>> -> memref<256xi32, #tpu.memory_space<hbm>>
    %dma_start3A_24 = arith.constant 0 : i32
    %dma_start3A_25 = tpu.memref_slice %arg7[%dma_start3A_19, %dma_start3A_24] : memref<2x256xi32, #tpu.memory_space<vmem>> -> memref<1x256xi32, #tpu.memory_space<vmem>>
    %dma_start3A_26 = tpu.memref_squeeze %dma_start3A_25 : memref<1x256xi32, #tpu.memory_space<vmem>> -> memref<256xi32, #tpu.memory_space<vmem>>
    %dma_start3A_27 = tpu.memref_slice %arg3[%multiple_of3A] : memref<100096xi32, #tpu.memory_space<hbm>> -> memref<256xi32, #tpu.memory_space<hbm>>
    tpu.enqueue_dma source(%dma_start3A_27 : memref<256xi32, #tpu.memory_space<hbm>>) target(%dma_start3A_26 : memref<256xi32, #tpu.memory_space<vmem>>) target_semaphore(%arg9 : memref<!tpu.dma_semaphore, #tpu.memory_space<semaphore_mem>>)
    %scan3A = arith.constant 0 : i32
    %scan3A_28 = arith.constant 0 : i32
    %scan3A_29 = arith.constant 6 : i32
    %scan3A_30 = arith.addi %scan3A_28, %scan3A_29 : i32
    %scan3A_31 = arith.constant 1 : i32
    scf.for %scan3A_49 = %scan3A_28 to %scan3A_30 step %scan3A_31  : i32 {
      %mul3A_50 = arith.constant 2 : i32
      %mul3A_51 = arith.muli %mul3A_50, %scan3A_49 : i32
      %add3A_52 = arith.constant 1 : i32
      %add3A_53 = arith.addi %mul3A_51, %add3A_52 : i32
      %mul3A_54 = arith.constant 3072 : i32
      %mul3A_55 = arith.muli %add3A, %mul3A_54 : i32
      %mul3A_56 = arith.constant 256 : i32
      %mul3A_57 = arith.muli %add3A_53, %mul3A_56 : i32
      %add3A_58 = arith.addi %mul3A_55, %mul3A_57 : i32
      %multiple_of3A_59 = tpu.assume_multiple %add3A_58, 128 : i32
      %dma_start3A_60 = arith.constant 1 : i32
      %dma_start3A_61 = arith.constant 0 : i32
      %dma_start3A_62 = arith.constant 0 : i32
      %dma_start3A_63 = tpu.memref_slice %arg6[%dma_start3A_60, %dma_start3A_61, %dma_start3A_62] : memref<2x256x128xf32, #tpu.memory_space<vmem>> -> memref<1x256x128xf32, #tpu.memory_space<vmem>>
      %dma_start3A_64 = tpu.memref_squeeze %dma_start3A_63 : memref<1x256x128xf32, #tpu.memory_space<vmem>> -> memref<256x128xf32, #tpu.memory_space<vmem>>
      %dma_start3A_65 = arith.constant 0 : i32
      %dma_start3A_66 = tpu.memref_slice %arg2[%multiple_of3A_59, %dma_start3A_65] : memref<100000x128xf32, #tpu.memory_space<hbm>> -> memref<256x128xf32, #tpu.memory_space<hbm>>
      %dma_start3A_67 = arith.constant 0 : i32
      %dma_start3A_68 = arith.constant 0 : i32
      %dma_start3A_69 = tpu.memref_slice %arg6[%dma_start3A_60, %dma_start3A_67, %dma_start3A_68] : memref<2x256x128xf32, #tpu.memory_space<vmem>> -> memref<1x256x128xf32, #tpu.memory_space<vmem>>
      %dma_start3A_70 = tpu.memref_squeeze %dma_start3A_69 : memref<1x256x128xf32, #tpu.memory_space<vmem>> -> memref<256x128xf32, #tpu.memory_space<vmem>>
      %dma_start3A_71 = arith.constant 0 : i32
      %dma_start3A_72 = tpu.memref_slice %arg2[%multiple_of3A_59, %dma_start3A_71] : memref<100000x128xf32, #tpu.memory_space<hbm>> -> memref<256x128xf32, #tpu.memory_space<hbm>>
      tpu.enqueue_dma source(%dma_start3A_72 : memref<256x128xf32, #tpu.memory_space<hbm>>) target(%dma_start3A_70 : memref<256x128xf32, #tpu.memory_space<vmem>>) target_semaphore(%arg10 : memref<!tpu.dma_semaphore, #tpu.memory_space<semaphore_mem>>)
      %dma_start3A_73 = arith.constant 1 : i32
      %dma_start3A_74 = arith.constant 0 : i32
      %dma_start3A_75 = tpu.memref_slice %arg7[%dma_start3A_73, %dma_start3A_74] : memref<2x256xi32, #tpu.memory_space<vmem>> -> memref<1x256xi32, #tpu.memory_space<vmem>>
      %dma_start3A_76 = tpu.memref_squeeze %dma_start3A_75 : memref<1x256xi32, #tpu.memory_space<vmem>> -> memref<256xi32, #tpu.memory_space<vmem>>
      %dma_start3A_77 = tpu.memref_slice %arg3[%multiple_of3A_59] : memref<100096xi32, #tpu.memory_space<hbm>> -> memref<256xi32, #tpu.memory_space<hbm>>
      %dma_start3A_78 = arith.constant 0 : i32
      %dma_start3A_79 = tpu.memref_slice %arg7[%dma_start3A_73, %dma_start3A_78] : memref<2x256xi32, #tpu.memory_space<vmem>> -> memref<1x256xi32, #tpu.memory_space<vmem>>
      %dma_start3A_80 = tpu.memref_squeeze %dma_start3A_79 : memref<1x256xi32, #tpu.memory_space<vmem>> -> memref<256xi32, #tpu.memory_space<vmem>>
      %dma_start3A_81 = tpu.memref_slice %arg3[%multiple_of3A_59] : memref<100096xi32, #tpu.memory_space<hbm>> -> memref<256xi32, #tpu.memory_space<hbm>>
      tpu.enqueue_dma source(%dma_start3A_81 : memref<256xi32, #tpu.memory_space<hbm>>) target(%dma_start3A_80 : memref<256xi32, #tpu.memory_space<vmem>>) target_semaphore(%arg10 : memref<!tpu.dma_semaphore, #tpu.memory_space<semaphore_mem>>)
      %dma_wait3A = arith.constant 0 : i32
      %dma_wait3A_82 = arith.constant 0 : i32
      %dma_wait3A_83 = arith.constant 0 : i32
      %dma_wait3A_84 = tpu.memref_slice %arg6[%dma_wait3A, %dma_wait3A_82, %dma_wait3A_83] : memref<2x256x128xf32, #tpu.memory_space<vmem>> -> memref<1x256x128xf32, #tpu.memory_space<vmem>>
      %dma_wait3A_85 = tpu.memref_squeeze %dma_wait3A_84 : memref<1x256x128xf32, #tpu.memory_space<vmem>> -> memref<256x128xf32, #tpu.memory_space<vmem>>
      %dma_wait3A_86 = arith.constant 0 : i32
      %dma_wait3A_87 = arith.constant 0 : i32
      %dma_wait3A_88 = tpu.memref_slice %arg2[%dma_wait3A_86, %dma_wait3A_87] : memref<100000x128xf32, #tpu.memory_space<hbm>> -> memref<256x128xf32, #tpu.memory_space<hbm>>
      %dma_wait3A_89 = arith.constant 0 : i32
      %dma_wait3A_90 = arith.constant 0 : i32
      %dma_wait3A_91 = tpu.memref_slice %arg6[%dma_wait3A, %dma_wait3A_89, %dma_wait3A_90] : memref<2x256x128xf32, #tpu.memory_space<vmem>> -> memref<1x256x128xf32, #tpu.memory_space<vmem>>
      %dma_wait3A_92 = tpu.memref_squeeze %dma_wait3A_91 : memref<1x256x128xf32, #tpu.memory_space<vmem>> -> memref<256x128xf32, #tpu.memory_space<vmem>>
      %dma_wait3A_93 = arith.constant 0 : i32
      %dma_wait3A_94 = arith.constant 0 : i32
      %dma_wait3A_95 = tpu.memref_slice %arg2[%dma_wait3A_93, %dma_wait3A_94] : memref<100000x128xf32, #tpu.memory_space<hbm>> -> memref<256x128xf32, #tpu.memory_space<hbm>>
      tpu.wait_dma2 semaphore(%arg9 : memref<!tpu.dma_semaphore, #tpu.memory_space<semaphore_mem>>) src(%dma_wait3A_95 : memref<256x128xf32, #tpu.memory_space<hbm>>) dst(%dma_wait3A_92 : memref<256x128xf32, #tpu.memory_space<vmem>>)
      %dma_wait3A_96 = arith.constant 0 : i32
      %dma_wait3A_97 = arith.constant 0 : i32
      %dma_wait3A_98 = tpu.memref_slice %arg7[%dma_wait3A_96, %dma_wait3A_97] : memref<2x256xi32, #tpu.memory_space<vmem>> -> memref<1x256xi32, #tpu.memory_space<vmem>>
      %dma_wait3A_99 = tpu.memref_squeeze %dma_wait3A_98 : memref<1x256xi32, #tpu.memory_space<vmem>> -> memref<256xi32, #tpu.memory_space<vmem>>
      %dma_wait3A_100 = arith.constant 0 : i32
      %dma_wait3A_101 = tpu.memref_slice %arg3[%dma_wait3A_100] : memref<100096xi32, #tpu.memory_space<hbm>> -> memref<256xi32, #tpu.memory_space<hbm>>
      %dma_wait3A_102 = arith.constant 0 : i32
      %dma_wait3A_103 = tpu.memref_slice %arg7[%dma_wait3A_96, %dma_wait3A_102] : memref<2x256xi32, #tpu.memory_space<vmem>> -> memref<1x256xi32, #tpu.memory_space<vmem>>
      %dma_wait3A_104 = tpu.memref_squeeze %dma_wait3A_103 : memref<1x256xi32, #tpu.memory_space<vmem>> -> memref<256xi32, #tpu.memory_space<vmem>>
      %dma_wait3A_105 = arith.constant 0 : i32
      %dma_wait3A_106 = tpu.memref_slice %arg3[%dma_wait3A_105] : memref<100096xi32, #tpu.memory_space<hbm>> -> memref<256xi32, #tpu.memory_space<hbm>>
      tpu.wait_dma2 semaphore(%arg9 : memref<!tpu.dma_semaphore, #tpu.memory_space<semaphore_mem>>) src(%dma_wait3A_106 : memref<256xi32, #tpu.memory_space<hbm>>) dst(%dma_wait3A_104 : memref<256xi32, #tpu.memory_space<vmem>>)
      %run_scoped3A = arith.constant 0 : i32
      %run_scoped3A_107 = arith.constant 0 : i32
      "tpu.region"() ({
        %run_scoped3A_140 = tpu.sem_alloc : memref<!tpu.dma_semaphore, #tpu.memory_space<semaphore_mem>>
        %dma_start3A_141 = arith.constant 0 : i32
        %dma_start3A_142 = arith.constant 0 : i32
        %dma_start3A_143 = tpu.memref_slice %arg6[%run_scoped3A, %dma_start3A_141, %dma_start3A_142] : memref<2x256x128xf32, #tpu.memory_space<vmem>> -> memref<1x256x128xf32, #tpu.memory_space<vmem>>
        %dma_start3A_144 = tpu.memref_squeeze %dma_start3A_143 : memref<1x256x128xf32, #tpu.memory_space<vmem>> -> memref<256x128xf32, #tpu.memory_space<vmem>>
        %dma_start3A_145 = arith.constant 0 : i32
        %dma_start3A_146 = tpu.memref_slice %arg7[%run_scoped3A_107, %dma_start3A_145] : memref<2x256xi32, #tpu.memory_space<vmem>> -> memref<1x256xi32, #tpu.memory_space<vmem>>
        %dma_start3A_147 = tpu.memref_squeeze %dma_start3A_146 : memref<1x256xi32, #tpu.memory_space<vmem>> -> memref<256xi32, #tpu.memory_space<vmem>>
        %dma_start3A_148 = arith.constant 0 : i32
        %dma_start3A_149 = arith.constant 0 : i32
        %dma_start3A_150 = tpu.memref_slice %arg8[%dma_start3A_148, %dma_start3A_149] : memref<65x128xf32, #tpu.memory_space<vmem_shared>> -> memref<65x128xf32, #tpu.memory_space<vmem_shared>>
        tpu.enqueue_indirect_dma source(%dma_start3A_144 : memref<256x128xf32, #tpu.memory_space<vmem>>) target(%dma_start3A_150 : memref<65x128xf32, #tpu.memory_space<vmem_shared>>) offsets(%dma_start3A_147 : memref<256xi32, #tpu.memory_space<vmem>>) semaphore(%run_scoped3A_140 : memref<!tpu.dma_semaphore, #tpu.memory_space<semaphore_mem>>) {add = true}
        %dma_wait3A_151 = arith.constant 0 : i32
        %dma_wait3A_152 = arith.constant 0 : i32
        %dma_wait3A_153 = tpu.memref_slice %arg6[%run_scoped3A, %dma_wait3A_151, %dma_wait3A_152] : memref<2x256x128xf32, #tpu.memory_space<vmem>> -> memref<1x256x128xf32, #tpu.memory_space<vmem>>
        %dma_wait3A_154 = tpu.memref_squeeze %dma_wait3A_153 : memref<1x256x128xf32, #tpu.memory_space<vmem>> -> memref<256x128xf32, #tpu.memory_space<vmem>>
        %dma_wait3A_155 = arith.constant 0 : i32
        %dma_wait3A_156 = tpu.memref_slice %arg7[%run_scoped3A_107, %dma_wait3A_155] : memref<2x256xi32, #tpu.memory_space<vmem>> -> memref<1x256xi32, #tpu.memory_space<vmem>>
        %dma_wait3A_157 = tpu.memref_squeeze %dma_wait3A_156 : memref<1x256xi32, #tpu.memory_space<vmem>> -> memref<256xi32, #tpu.memory_space<vmem>>
        %dma_wait3A_158 = arith.constant 0 : i32
        %dma_wait3A_159 = arith.constant 0 : i32
        %dma_wait3A_160 = tpu.memref_slice %arg8[%dma_wait3A_158, %dma_wait3A_159] : memref<65x128xf32, #tpu.memory_space<vmem_shared>> -> memref<65x128xf32, #tpu.memory_space<vmem_shared>>
        tpu.wait_indirect_dma semaphore(%run_scoped3A_140 : memref<!tpu.dma_semaphore, #tpu.memory_space<semaphore_mem>>) src(%dma_wait3A_154 : memref<256x128xf32, #tpu.memory_space<vmem>>) dst(%dma_wait3A_160 : memref<65x128xf32, #tpu.memory_space<vmem_shared>>)
        tpu.yield
      }) : () -> ()
      %lt3A = arith.constant 5 : i32
      %lt3A_108 = arith.cmpi slt, %scan3A_49, %lt3A : i32
      %convert_element_type3A_109 = arith.extui %lt3A_108 : i1 to i32
      %cond3A_110 = arith.constant 0 : i32
      %cond3A_111 = arith.cmpi ne, %convert_element_type3A_109, %cond3A_110 : i32
      scf.if %cond3A_111 {
        %mul3A_140 = arith.constant 2 : i32
        %mul3A_141 = arith.muli %mul3A_140, %scan3A_49 : i32
        %add3A_142 = arith.constant 2 : i32
        %add3A_143 = arith.addi %mul3A_141, %add3A_142 : i32
        %mul3A_144 = arith.constant 3072 : i32
        %mul3A_145 = arith.muli %add3A, %mul3A_144 : i32
        %mul3A_146 = arith.constant 256 : i32
        %mul3A_147 = arith.muli %add3A_143, %mul3A_146 : i32
        %add3A_148 = arith.addi %mul3A_145, %mul3A_147 : i32
        %multiple_of3A_149 = tpu.assume_multiple %add3A_148, 128 : i32
        %dma_start3A_150 = arith.constant 0 : i32
        %dma_start3A_151 = arith.constant 0 : i32
        %dma_start3A_152 = arith.constant 0 : i32
        %dma_start3A_153 = tpu.memref_slice %arg6[%dma_start3A_150, %dma_start3A_151, %dma_start3A_152] : memref<2x256x128xf32, #tpu.memory_space<vmem>> -> memref<1x256x128xf32, #tpu.memory_space<vmem>>
        %dma_start3A_154 = tpu.memref_squeeze %dma_start3A_153 : memref<1x256x128xf32, #tpu.memory_space<vmem>> -> memref<256x128xf32, #tpu.memory_space<vmem>>
        %dma_start3A_155 = arith.constant 0 : i32
        %dma_start3A_156 = tpu.memref_slice %arg2[%multiple_of3A_149, %dma_start3A_155] : memref<100000x128xf32, #tpu.memory_space<hbm>> -> memref<256x128xf32, #tpu.memory_space<hbm>>
        %dma_start3A_157 = arith.constant 0 : i32
        %dma_start3A_158 = arith.constant 0 : i32
        %dma_start3A_159 = tpu.memref_slice %arg6[%dma_start3A_150, %dma_start3A_157, %dma_start3A_158] : memref<2x256x128xf32, #tpu.memory_space<vmem>> -> memref<1x256x128xf32, #tpu.memory_space<vmem>>
        %dma_start3A_160 = tpu.memref_squeeze %dma_start3A_159 : memref<1x256x128xf32, #tpu.memory_space<vmem>> -> memref<256x128xf32, #tpu.memory_space<vmem>>
        %dma_start3A_161 = arith.constant 0 : i32
        %dma_start3A_162 = tpu.memref_slice %arg2[%multiple_of3A_149, %dma_start3A_161] : memref<100000x128xf32, #tpu.memory_space<hbm>> -> memref<256x128xf32, #tpu.memory_space<hbm>>
        tpu.enqueue_dma source(%dma_start3A_162 : memref<256x128xf32, #tpu.memory_space<hbm>>) target(%dma_start3A_160 : memref<256x128xf32, #tpu.memory_space<vmem>>) target_semaphore(%arg9 : memref<!tpu.dma_semaphore, #tpu.memory_space<semaphore_mem>>)
        %dma_start3A_163 = arith.constant 0 : i32
        %dma_start3A_164 = arith.constant 0 : i32
        %dma_start3A_165 = tpu.memref_slice %arg7[%dma_start3A_163, %dma_start3A_164] : memref<2x256xi32, #tpu.memory_space<vmem>> -> memref<1x256xi32, #tpu.memory_space<vmem>>
        %dma_start3A_166 = tpu.memref_squeeze %dma_start3A_165 : memref<1x256xi32, #tpu.memory_space<vmem>> -> memref<256xi32, #tpu.memory_space<vmem>>
        %dma_start3A_167 = tpu.memref_slice %arg3[%multiple_of3A_149] : memref<100096xi32, #tpu.memory_space<hbm>> -> memref<256xi32, #tpu.memory_space<hbm>>
        %dma_start3A_168 = arith.constant 0 : i32
        %dma_start3A_169 = tpu.memref_slice %arg7[%dma_start3A_163, %dma_start3A_168] : memref<2x256xi32, #tpu.memory_space<vmem>> -> memref<1x256xi32, #tpu.memory_space<vmem>>
        %dma_start3A_170 = tpu.memref_squeeze %dma_start3A_169 : memref<1x256xi32, #tpu.memory_space<vmem>> -> memref<256xi32, #tpu.memory_space<vmem>>
        %dma_start3A_171 = tpu.memref_slice %arg3[%multiple_of3A_149] : memref<100096xi32, #tpu.memory_space<hbm>> -> memref<256xi32, #tpu.memory_space<hbm>>
        tpu.enqueue_dma source(%dma_start3A_171 : memref<256xi32, #tpu.memory_space<hbm>>) target(%dma_start3A_170 : memref<256xi32, #tpu.memory_space<vmem>>) target_semaphore(%arg9 : memref<!tpu.dma_semaphore, #tpu.memory_space<semaphore_mem>>)
      } else {
      }
      %dma_wait3A_112 = arith.constant 1 : i32
      %dma_wait3A_113 = arith.constant 0 : i32
      %dma_wait3A_114 = arith.constant 0 : i32
      %dma_wait3A_115 = tpu.memref_slice %arg6[%dma_wait3A_112, %dma_wait3A_113, %dma_wait3A_114] : memref<2x256x128xf32, #tpu.memory_space<vmem>> -> memref<1x256x128xf32, #tpu.memory_space<vmem>>
      %dma_wait3A_116 = tpu.memref_squeeze %dma_wait3A_115 : memref<1x256x128xf32, #tpu.memory_space<vmem>> -> memref<256x128xf32, #tpu.memory_space<vmem>>
      %dma_wait3A_117 = arith.constant 0 : i32
      %dma_wait3A_118 = arith.constant 0 : i32
      %dma_wait3A_119 = tpu.memref_slice %arg2[%dma_wait3A_117, %dma_wait3A_118] : memref<100000x128xf32, #tpu.memory_space<hbm>> -> memref<256x128xf32, #tpu.memory_space<hbm>>
      %dma_wait3A_120 = arith.constant 0 : i32
      %dma_wait3A_121 = arith.constant 0 : i32
      %dma_wait3A_122 = tpu.memref_slice %arg6[%dma_wait3A_112, %dma_wait3A_120, %dma_wait3A_121] : memref<2x256x128xf32, #tpu.memory_space<vmem>> -> memref<1x256x128xf32, #tpu.memory_space<vmem>>
      %dma_wait3A_123 = tpu.memref_squeeze %dma_wait3A_122 : memref<1x256x128xf32, #tpu.memory_space<vmem>> -> memref<256x128xf32, #tpu.memory_space<vmem>>
      %dma_wait3A_124 = arith.constant 0 : i32
      %dma_wait3A_125 = arith.constant 0 : i32
      %dma_wait3A_126 = tpu.memref_slice %arg2[%dma_wait3A_124, %dma_wait3A_125] : memref<100000x128xf32, #tpu.memory_space<hbm>> -> memref<256x128xf32, #tpu.memory_space<hbm>>
      tpu.wait_dma2 semaphore(%arg10 : memref<!tpu.dma_semaphore, #tpu.memory_space<semaphore_mem>>) src(%dma_wait3A_126 : memref<256x128xf32, #tpu.memory_space<hbm>>) dst(%dma_wait3A_123 : memref<256x128xf32, #tpu.memory_space<vmem>>)
      %dma_wait3A_127 = arith.constant 1 : i32
      %dma_wait3A_128 = arith.constant 0 : i32
      %dma_wait3A_129 = tpu.memref_slice %arg7[%dma_wait3A_127, %dma_wait3A_128] : memref<2x256xi32, #tpu.memory_space<vmem>> -> memref<1x256xi32, #tpu.memory_space<vmem>>
      %dma_wait3A_130 = tpu.memref_squeeze %dma_wait3A_129 : memref<1x256xi32, #tpu.memory_space<vmem>> -> memref<256xi32, #tpu.memory_space<vmem>>
      %dma_wait3A_131 = arith.constant 0 : i32
      %dma_wait3A_132 = tpu.memref_slice %arg3[%dma_wait3A_131] : memref<100096xi32, #tpu.memory_space<hbm>> -> memref<256xi32, #tpu.memory_space<hbm>>
      %dma_wait3A_133 = arith.constant 0 : i32
      %dma_wait3A_134 = tpu.memref_slice %arg7[%dma_wait3A_127, %dma_wait3A_133] : memref<2x256xi32, #tpu.memory_space<vmem>> -> memref<1x256xi32, #tpu.memory_space<vmem>>
      %dma_wait3A_135 = tpu.memref_squeeze %dma_wait3A_134 : memref<1x256xi32, #tpu.memory_space<vmem>> -> memref<256xi32, #tpu.memory_space<vmem>>
      %dma_wait3A_136 = arith.constant 0 : i32
      %dma_wait3A_137 = tpu.memref_slice %arg3[%dma_wait3A_136] : memref<100096xi32, #tpu.memory_space<hbm>> -> memref<256xi32, #tpu.memory_space<hbm>>
      tpu.wait_dma2 semaphore(%arg10 : memref<!tpu.dma_semaphore, #tpu.memory_space<semaphore_mem>>) src(%dma_wait3A_137 : memref<256xi32, #tpu.memory_space<hbm>>) dst(%dma_wait3A_135 : memref<256xi32, #tpu.memory_space<vmem>>)
      %run_scoped3A_138 = arith.constant 1 : i32
      %run_scoped3A_139 = arith.constant 1 : i32
      "tpu.region"() ({
        %run_scoped3A_140 = tpu.sem_alloc : memref<!tpu.dma_semaphore, #tpu.memory_space<semaphore_mem>>
        %dma_start3A_141 = arith.constant 0 : i32
        %dma_start3A_142 = arith.constant 0 : i32
        %dma_start3A_143 = tpu.memref_slice %arg6[%run_scoped3A_138, %dma_start3A_141, %dma_start3A_142] : memref<2x256x128xf32, #tpu.memory_space<vmem>> -> memref<1x256x128xf32, #tpu.memory_space<vmem>>
        %dma_start3A_144 = tpu.memref_squeeze %dma_start3A_143 : memref<1x256x128xf32, #tpu.memory_space<vmem>> -> memref<256x128xf32, #tpu.memory_space<vmem>>
        %dma_start3A_145 = arith.constant 0 : i32
        %dma_start3A_146 = tpu.memref_slice %arg7[%run_scoped3A_139, %dma_start3A_145] : memref<2x256xi32, #tpu.memory_space<vmem>> -> memref<1x256xi32, #tpu.memory_space<vmem>>
        %dma_start3A_147 = tpu.memref_squeeze %dma_start3A_146 : memref<1x256xi32, #tpu.memory_space<vmem>> -> memref<256xi32, #tpu.memory_space<vmem>>
        %dma_start3A_148 = arith.constant 0 : i32
        %dma_start3A_149 = arith.constant 0 : i32
        %dma_start3A_150 = tpu.memref_slice %arg8[%dma_start3A_148, %dma_start3A_149] : memref<65x128xf32, #tpu.memory_space<vmem_shared>> -> memref<65x128xf32, #tpu.memory_space<vmem_shared>>
        tpu.enqueue_indirect_dma source(%dma_start3A_144 : memref<256x128xf32, #tpu.memory_space<vmem>>) target(%dma_start3A_150 : memref<65x128xf32, #tpu.memory_space<vmem_shared>>) offsets(%dma_start3A_147 : memref<256xi32, #tpu.memory_space<vmem>>) semaphore(%run_scoped3A_140 : memref<!tpu.dma_semaphore, #tpu.memory_space<semaphore_mem>>) {add = true}
        %dma_wait3A_151 = arith.constant 0 : i32
        %dma_wait3A_152 = arith.constant 0 : i32
        %dma_wait3A_153 = tpu.memref_slice %arg6[%run_scoped3A_138, %dma_wait3A_151, %dma_wait3A_152] : memref<2x256x128xf32, #tpu.memory_space<vmem>> -> memref<1x256x128xf32, #tpu.memory_space<vmem>>
        %dma_wait3A_154 = tpu.memref_squeeze %dma_wait3A_153 : memref<1x256x128xf32, #tpu.memory_space<vmem>> -> memref<256x128xf32, #tpu.memory_space<vmem>>
        %dma_wait3A_155 = arith.constant 0 : i32
        %dma_wait3A_156 = tpu.memref_slice %arg7[%run_scoped3A_139, %dma_wait3A_155] : memref<2x256xi32, #tpu.memory_space<vmem>> -> memref<1x256xi32, #tpu.memory_space<vmem>>
        %dma_wait3A_157 = tpu.memref_squeeze %dma_wait3A_156 : memref<1x256xi32, #tpu.memory_space<vmem>> -> memref<256xi32, #tpu.memory_space<vmem>>
        %dma_wait3A_158 = arith.constant 0 : i32
        %dma_wait3A_159 = arith.constant 0 : i32
        %dma_wait3A_160 = tpu.memref_slice %arg8[%dma_wait3A_158, %dma_wait3A_159] : memref<65x128xf32, #tpu.memory_space<vmem_shared>> -> memref<65x128xf32, #tpu.memory_space<vmem_shared>>
        tpu.wait_indirect_dma semaphore(%run_scoped3A_140 : memref<!tpu.dma_semaphore, #tpu.memory_space<semaphore_mem>>) src(%dma_wait3A_154 : memref<256x128xf32, #tpu.memory_space<vmem>>) dst(%dma_wait3A_160 : memref<65x128xf32, #tpu.memory_space<vmem_shared>>)
        tpu.yield
      }) : () -> ()
    }
    %scan3A_32 = arith.constant 6 : i32
    %eq3A_33 = arith.constant 0 : i32
    %eq3A_34 = arith.cmpi eq, %add3A, %eq3A_33 : i32
    %convert_element_type3A_35 = arith.extui %eq3A_34 : i1 to i32
    %cond3A_36 = arith.constant 0 : i32
    %cond3A_37 = arith.cmpi ne, %convert_element_type3A_35, %cond3A_36 : i32
    scf.if %cond3A_37 {
      %scan3A_49 = arith.constant 0 : i32
      %scan3A_50 = arith.constant 0 : i32
      %scan3A_51 = arith.constant 4 : i32
      %scan3A_52 = arith.addi %scan3A_50, %scan3A_51 : i32
      %scan3A_53 = arith.constant 1 : i32
      scf.for %scan3A_55 = %scan3A_50 to %scan3A_52 step %scan3A_53  : i32 {
        %mul3A_56 = arith.constant 256 : i32
        %mul3A_57 = arith.muli %scan3A_55, %mul3A_56 : i32
        %add3A_58 = arith.constant 98304 : i32
        %add3A_59 = arith.addi %add3A_58, %mul3A_57 : i32
        %multiple_of3A_60 = tpu.assume_multiple %add3A_59, 128 : i32
        %run_scoped3A = arith.constant 0 : i32
        "tpu.region"() ({
          %run_scoped3A_64 = tpu.sem_alloc : memref<!tpu.dma_semaphore, #tpu.memory_space<semaphore_mem>>
          %dma_start3A_65 = arith.constant 0 : i32
          %dma_start3A_66 = arith.constant 0 : i32
          %dma_start3A_67 = tpu.memref_slice %arg6[%run_scoped3A, %dma_start3A_65, %dma_start3A_66] : memref<2x256x128xf32, #tpu.memory_space<vmem>> -> memref<1x256x128xf32, #tpu.memory_space<vmem>>
          %dma_start3A_68 = tpu.memref_squeeze %dma_start3A_67 : memref<1x256x128xf32, #tpu.memory_space<vmem>> -> memref<256x128xf32, #tpu.memory_space<vmem>>
          %dma_start3A_69 = arith.constant 0 : i32
          %dma_start3A_70 = tpu.memref_slice %arg2[%multiple_of3A_60, %dma_start3A_69] : memref<100000x128xf32, #tpu.memory_space<hbm>> -> memref<256x128xf32, #tpu.memory_space<hbm>>
          %dma_start3A_71 = arith.constant 0 : i32
          %dma_start3A_72 = arith.constant 0 : i32
          %dma_start3A_73 = tpu.memref_slice %arg6[%run_scoped3A, %dma_start3A_71, %dma_start3A_72] : memref<2x256x128xf32, #tpu.memory_space<vmem>> -> memref<1x256x128xf32, #tpu.memory_space<vmem>>
          %dma_start3A_74 = tpu.memref_squeeze %dma_start3A_73 : memref<1x256x128xf32, #tpu.memory_space<vmem>> -> memref<256x128xf32, #tpu.memory_space<vmem>>
          %dma_start3A_75 = arith.constant 0 : i32
          %dma_start3A_76 = tpu.memref_slice %arg2[%multiple_of3A_60, %dma_start3A_75] : memref<100000x128xf32, #tpu.memory_space<hbm>> -> memref<256x128xf32, #tpu.memory_space<hbm>>
          tpu.enqueue_dma source(%dma_start3A_76 : memref<256x128xf32, #tpu.memory_space<hbm>>) target(%dma_start3A_74 : memref<256x128xf32, #tpu.memory_space<vmem>>) target_semaphore(%run_scoped3A_64 : memref<!tpu.dma_semaphore, #tpu.memory_space<semaphore_mem>>)
          %dma_wait3A = arith.constant 0 : i32
          %dma_wait3A_77 = arith.constant 0 : i32
          %dma_wait3A_78 = tpu.memref_slice %arg6[%run_scoped3A, %dma_wait3A, %dma_wait3A_77] : memref<2x256x128xf32, #tpu.memory_space<vmem>> -> memref<1x256x128xf32, #tpu.memory_space<vmem>>
          %dma_wait3A_79 = tpu.memref_squeeze %dma_wait3A_78 : memref<1x256x128xf32, #tpu.memory_space<vmem>> -> memref<256x128xf32, #tpu.memory_space<vmem>>
          %dma_wait3A_80 = arith.constant 0 : i32
          %dma_wait3A_81 = tpu.memref_slice %arg2[%multiple_of3A_60, %dma_wait3A_80] : memref<100000x128xf32, #tpu.memory_space<hbm>> -> memref<256x128xf32, #tpu.memory_space<hbm>>
          %dma_wait3A_82 = arith.constant 0 : i32
          %dma_wait3A_83 = arith.constant 0 : i32
          %dma_wait3A_84 = tpu.memref_slice %arg6[%run_scoped3A, %dma_wait3A_82, %dma_wait3A_83] : memref<2x256x128xf32, #tpu.memory_space<vmem>> -> memref<1x256x128xf32, #tpu.memory_space<vmem>>
          %dma_wait3A_85 = tpu.memref_squeeze %dma_wait3A_84 : memref<1x256x128xf32, #tpu.memory_space<vmem>> -> memref<256x128xf32, #tpu.memory_space<vmem>>
          %dma_wait3A_86 = arith.constant 0 : i32
          %dma_wait3A_87 = tpu.memref_slice %arg2[%multiple_of3A_60, %dma_wait3A_86] : memref<100000x128xf32, #tpu.memory_space<hbm>> -> memref<256x128xf32, #tpu.memory_space<hbm>>
          tpu.wait_dma2 semaphore(%run_scoped3A_64 : memref<!tpu.dma_semaphore, #tpu.memory_space<semaphore_mem>>) src(%dma_wait3A_87 : memref<256x128xf32, #tpu.memory_space<hbm>>) dst(%dma_wait3A_85 : memref<256x128xf32, #tpu.memory_space<vmem>>)
          tpu.yield
        }) : () -> ()
        %run_scoped3A_61 = arith.constant 0 : i32
        "tpu.region"() ({
          %run_scoped3A_64 = tpu.sem_alloc : memref<!tpu.dma_semaphore, #tpu.memory_space<semaphore_mem>>
          %dma_start3A_65 = arith.constant 0 : i32
          %dma_start3A_66 = tpu.memref_slice %arg7[%run_scoped3A_61, %dma_start3A_65] : memref<2x256xi32, #tpu.memory_space<vmem>> -> memref<1x256xi32, #tpu.memory_space<vmem>>
          %dma_start3A_67 = tpu.memref_squeeze %dma_start3A_66 : memref<1x256xi32, #tpu.memory_space<vmem>> -> memref<256xi32, #tpu.memory_space<vmem>>
          %dma_start3A_68 = tpu.memref_slice %arg3[%multiple_of3A_60] : memref<100096xi32, #tpu.memory_space<hbm>> -> memref<256xi32, #tpu.memory_space<hbm>>
          %dma_start3A_69 = arith.constant 0 : i32
          %dma_start3A_70 = tpu.memref_slice %arg7[%run_scoped3A_61, %dma_start3A_69] : memref<2x256xi32, #tpu.memory_space<vmem>> -> memref<1x256xi32, #tpu.memory_space<vmem>>
          %dma_start3A_71 = tpu.memref_squeeze %dma_start3A_70 : memref<1x256xi32, #tpu.memory_space<vmem>> -> memref<256xi32, #tpu.memory_space<vmem>>
          %dma_start3A_72 = tpu.memref_slice %arg3[%multiple_of3A_60] : memref<100096xi32, #tpu.memory_space<hbm>> -> memref<256xi32, #tpu.memory_space<hbm>>
          tpu.enqueue_dma source(%dma_start3A_72 : memref<256xi32, #tpu.memory_space<hbm>>) target(%dma_start3A_71 : memref<256xi32, #tpu.memory_space<vmem>>) target_semaphore(%run_scoped3A_64 : memref<!tpu.dma_semaphore, #tpu.memory_space<semaphore_mem>>)
          %dma_wait3A = arith.constant 0 : i32
          %dma_wait3A_73 = tpu.memref_slice %arg7[%run_scoped3A_61, %dma_wait3A] : memref<2x256xi32, #tpu.memory_space<vmem>> -> memref<1x256xi32, #tpu.memory_space<vmem>>
          %dma_wait3A_74 = tpu.memref_squeeze %dma_wait3A_73 : memref<1x256xi32, #tpu.memory_space<vmem>> -> memref<256xi32, #tpu.memory_space<vmem>>
          %dma_wait3A_75 = tpu.memref_slice %arg3[%multiple_of3A_60] : memref<100096xi32, #tpu.memory_space<hbm>> -> memref<256xi32, #tpu.memory_space<hbm>>
          %dma_wait3A_76 = arith.constant 0 : i32
          %dma_wait3A_77 = tpu.memref_slice %arg7[%run_scoped3A_61, %dma_wait3A_76] : memref<2x256xi32, #tpu.memory_space<vmem>> -> memref<1x256xi32, #tpu.memory_space<vmem>>
          %dma_wait3A_78 = tpu.memref_squeeze %dma_wait3A_77 : memref<1x256xi32, #tpu.memory_space<vmem>> -> memref<256xi32, #tpu.memory_space<vmem>>
          %dma_wait3A_79 = tpu.memref_slice %arg3[%multiple_of3A_60] : memref<100096xi32, #tpu.memory_space<hbm>> -> memref<256xi32, #tpu.memory_space<hbm>>
          tpu.wait_dma2 semaphore(%run_scoped3A_64 : memref<!tpu.dma_semaphore, #tpu.memory_space<semaphore_mem>>) src(%dma_wait3A_79 : memref<256xi32, #tpu.memory_space<hbm>>) dst(%dma_wait3A_78 : memref<256xi32, #tpu.memory_space<vmem>>)
          tpu.yield
        }) : () -> ()
        %run_scoped3A_62 = arith.constant 0 : i32
        %run_scoped3A_63 = arith.constant 0 : i32
        "tpu.region"() ({
          %run_scoped3A_64 = tpu.sem_alloc : memref<!tpu.dma_semaphore, #tpu.memory_space<semaphore_mem>>
          %dma_start3A_65 = arith.constant 0 : i32
          %dma_start3A_66 = arith.constant 0 : i32
          %dma_start3A_67 = tpu.memref_slice %arg6[%run_scoped3A_62, %dma_start3A_65, %dma_start3A_66] : memref<2x256x128xf32, #tpu.memory_space<vmem>> -> memref<1x256x128xf32, #tpu.memory_space<vmem>>
          %dma_start3A_68 = tpu.memref_squeeze %dma_start3A_67 : memref<1x256x128xf32, #tpu.memory_space<vmem>> -> memref<256x128xf32, #tpu.memory_space<vmem>>
          %dma_start3A_69 = arith.constant 0 : i32
          %dma_start3A_70 = tpu.memref_slice %arg7[%run_scoped3A_63, %dma_start3A_69] : memref<2x256xi32, #tpu.memory_space<vmem>> -> memref<1x256xi32, #tpu.memory_space<vmem>>
          %dma_start3A_71 = tpu.memref_squeeze %dma_start3A_70 : memref<1x256xi32, #tpu.memory_space<vmem>> -> memref<256xi32, #tpu.memory_space<vmem>>
          %dma_start3A_72 = arith.constant 0 : i32
          %dma_start3A_73 = arith.constant 0 : i32
          %dma_start3A_74 = tpu.memref_slice %arg8[%dma_start3A_72, %dma_start3A_73] : memref<65x128xf32, #tpu.memory_space<vmem_shared>> -> memref<65x128xf32, #tpu.memory_space<vmem_shared>>
          tpu.enqueue_indirect_dma source(%dma_start3A_68 : memref<256x128xf32, #tpu.memory_space<vmem>>) target(%dma_start3A_74 : memref<65x128xf32, #tpu.memory_space<vmem_shared>>) offsets(%dma_start3A_71 : memref<256xi32, #tpu.memory_space<vmem>>) semaphore(%run_scoped3A_64 : memref<!tpu.dma_semaphore, #tpu.memory_space<semaphore_mem>>) {add = true}
          %dma_wait3A = arith.constant 0 : i32
          %dma_wait3A_75 = arith.constant 0 : i32
          %dma_wait3A_76 = tpu.memref_slice %arg6[%run_scoped3A_62, %dma_wait3A, %dma_wait3A_75] : memref<2x256x128xf32, #tpu.memory_space<vmem>> -> memref<1x256x128xf32, #tpu.memory_space<vmem>>
          %dma_wait3A_77 = tpu.memref_squeeze %dma_wait3A_76 : memref<1x256x128xf32, #tpu.memory_space<vmem>> -> memref<256x128xf32, #tpu.memory_space<vmem>>
          %dma_wait3A_78 = arith.constant 0 : i32
          %dma_wait3A_79 = tpu.memref_slice %arg7[%run_scoped3A_63, %dma_wait3A_78] : memref<2x256xi32, #tpu.memory_space<vmem>> -> memref<1x256xi32, #tpu.memory_space<vmem>>
          %dma_wait3A_80 = tpu.memref_squeeze %dma_wait3A_79 : memref<1x256xi32, #tpu.memory_space<vmem>> -> memref<256xi32, #tpu.memory_space<vmem>>
          %dma_wait3A_81 = arith.constant 0 : i32
          %dma_wait3A_82 = arith.constant 0 : i32
          %dma_wait3A_83 = tpu.memref_slice %arg8[%dma_wait3A_81, %dma_wait3A_82] : memref<65x128xf32, #tpu.memory_space<vmem_shared>> -> memref<65x128xf32, #tpu.memory_space<vmem_shared>>
          tpu.wait_indirect_dma semaphore(%run_scoped3A_64 : memref<!tpu.dma_semaphore, #tpu.memory_space<semaphore_mem>>) src(%dma_wait3A_77 : memref<256x128xf32, #tpu.memory_space<vmem>>) dst(%dma_wait3A_83 : memref<65x128xf32, #tpu.memory_space<vmem_shared>>)
          tpu.yield
        }) : () -> ()
      }
      %scan3A_54 = arith.constant 4 : i32
    } else {
    }
    %eq3A_38 = arith.constant 1 : i32
    %eq3A_39 = arith.cmpi eq, %add3A, %eq3A_38 : i32
    %convert_element_type3A_40 = arith.extui %eq3A_39 : i1 to i32
    %cond3A_41 = arith.constant 0 : i32
    %cond3A_42 = arith.cmpi ne, %convert_element_type3A_40, %cond3A_41 : i32
    scf.if %cond3A_42 {
      %run_scoped3A = arith.constant 0 : i32
      "tpu.region"() ({
        %run_scoped3A_60 = tpu.sem_alloc : memref<!tpu.dma_semaphore, #tpu.memory_space<semaphore_mem>>
        %dma_start3A_61 = arith.constant 0 : i32
        %dma_start3A_62 = arith.constant 0 : i32
        %dma_start3A_63 = tpu.memref_slice %arg6[%run_scoped3A, %dma_start3A_61, %dma_start3A_62] : memref<2x256x128xf32, #tpu.memory_space<vmem>> -> memref<1x256x128xf32, #tpu.memory_space<vmem>>
        %dma_start3A_64 = tpu.memref_squeeze %dma_start3A_63 : memref<1x256x128xf32, #tpu.memory_space<vmem>> -> memref<256x128xf32, #tpu.memory_space<vmem>>
        %dma_start3A_65 = arith.constant 99328 : i32
        %dma_start3A_66 = arith.constant 0 : i32
        %dma_start3A_67 = tpu.memref_slice %arg2[%dma_start3A_65, %dma_start3A_66] : memref<100000x128xf32, #tpu.memory_space<hbm>> -> memref<256x128xf32, #tpu.memory_space<hbm>>
        %dma_start3A_68 = arith.constant 0 : i32
        %dma_start3A_69 = arith.constant 0 : i32
        %dma_start3A_70 = tpu.memref_slice %arg6[%run_scoped3A, %dma_start3A_68, %dma_start3A_69] : memref<2x256x128xf32, #tpu.memory_space<vmem>> -> memref<1x256x128xf32, #tpu.memory_space<vmem>>
        %dma_start3A_71 = tpu.memref_squeeze %dma_start3A_70 : memref<1x256x128xf32, #tpu.memory_space<vmem>> -> memref<256x128xf32, #tpu.memory_space<vmem>>
        %dma_start3A_72 = arith.constant 99328 : i32
        %dma_start3A_73 = arith.constant 0 : i32
        %dma_start3A_74 = tpu.memref_slice %arg2[%dma_start3A_72, %dma_start3A_73] : memref<100000x128xf32, #tpu.memory_space<hbm>> -> memref<256x128xf32, #tpu.memory_space<hbm>>
        tpu.enqueue_dma source(%dma_start3A_74 : memref<256x128xf32, #tpu.memory_space<hbm>>) target(%dma_start3A_71 : memref<256x128xf32, #tpu.memory_space<vmem>>) target_semaphore(%run_scoped3A_60 : memref<!tpu.dma_semaphore, #tpu.memory_space<semaphore_mem>>)
        %dma_wait3A = arith.constant 0 : i32
        %dma_wait3A_75 = arith.constant 0 : i32
        %dma_wait3A_76 = tpu.memref_slice %arg6[%run_scoped3A, %dma_wait3A, %dma_wait3A_75] : memref<2x256x128xf32, #tpu.memory_space<vmem>> -> memref<1x256x128xf32, #tpu.memory_space<vmem>>
        %dma_wait3A_77 = tpu.memref_squeeze %dma_wait3A_76 : memref<1x256x128xf32, #tpu.memory_space<vmem>> -> memref<256x128xf32, #tpu.memory_space<vmem>>
        %dma_wait3A_78 = arith.constant 99328 : i32
        %dma_wait3A_79 = arith.constant 0 : i32
        %dma_wait3A_80 = tpu.memref_slice %arg2[%dma_wait3A_78, %dma_wait3A_79] : memref<100000x128xf32, #tpu.memory_space<hbm>> -> memref<256x128xf32, #tpu.memory_space<hbm>>
        %dma_wait3A_81 = arith.constant 0 : i32
        %dma_wait3A_82 = arith.constant 0 : i32
        %dma_wait3A_83 = tpu.memref_slice %arg6[%run_scoped3A, %dma_wait3A_81, %dma_wait3A_82] : memref<2x256x128xf32, #tpu.memory_space<vmem>> -> memref<1x256x128xf32, #tpu.memory_space<vmem>>
        %dma_wait3A_84 = tpu.memref_squeeze %dma_wait3A_83 : memref<1x256x128xf32, #tpu.memory_space<vmem>> -> memref<256x128xf32, #tpu.memory_space<vmem>>
        %dma_wait3A_85 = arith.constant 99328 : i32
        %dma_wait3A_86 = arith.constant 0 : i32
        %dma_wait3A_87 = tpu.memref_slice %arg2[%dma_wait3A_85, %dma_wait3A_86] : memref<100000x128xf32, #tpu.memory_space<hbm>> -> memref<256x128xf32, #tpu.memory_space<hbm>>
        tpu.wait_dma2 semaphore(%run_scoped3A_60 : memref<!tpu.dma_semaphore, #tpu.memory_space<semaphore_mem>>) src(%dma_wait3A_87 : memref<256x128xf32, #tpu.memory_space<hbm>>) dst(%dma_wait3A_84 : memref<256x128xf32, #tpu.memory_space<vmem>>)
        tpu.yield
      }) : () -> ()
      %run_scoped3A_49 = arith.constant 0 : i32
      "tpu.region"() ({
        %run_scoped3A_60 = tpu.sem_alloc : memref<!tpu.dma_semaphore, #tpu.memory_space<semaphore_mem>>
        %dma_start3A_61 = arith.constant 0 : i32
        %dma_start3A_62 = tpu.memref_slice %arg7[%run_scoped3A_49, %dma_start3A_61] : memref<2x256xi32, #tpu.memory_space<vmem>> -> memref<1x256xi32, #tpu.memory_space<vmem>>
        %dma_start3A_63 = tpu.memref_squeeze %dma_start3A_62 : memref<1x256xi32, #tpu.memory_space<vmem>> -> memref<256xi32, #tpu.memory_space<vmem>>
        %dma_start3A_64 = arith.constant 99328 : i32
        %dma_start3A_65 = tpu.memref_slice %arg3[%dma_start3A_64] : memref<100096xi32, #tpu.memory_space<hbm>> -> memref<256xi32, #tpu.memory_space<hbm>>
        %dma_start3A_66 = arith.constant 0 : i32
        %dma_start3A_67 = tpu.memref_slice %arg7[%run_scoped3A_49, %dma_start3A_66] : memref<2x256xi32, #tpu.memory_space<vmem>> -> memref<1x256xi32, #tpu.memory_space<vmem>>
        %dma_start3A_68 = tpu.memref_squeeze %dma_start3A_67 : memref<1x256xi32, #tpu.memory_space<vmem>> -> memref<256xi32, #tpu.memory_space<vmem>>
        %dma_start3A_69 = arith.constant 99328 : i32
        %dma_start3A_70 = tpu.memref_slice %arg3[%dma_start3A_69] : memref<100096xi32, #tpu.memory_space<hbm>> -> memref<256xi32, #tpu.memory_space<hbm>>
        tpu.enqueue_dma source(%dma_start3A_70 : memref<256xi32, #tpu.memory_space<hbm>>) target(%dma_start3A_68 : memref<256xi32, #tpu.memory_space<vmem>>) target_semaphore(%run_scoped3A_60 : memref<!tpu.dma_semaphore, #tpu.memory_space<semaphore_mem>>)
        %dma_wait3A = arith.constant 0 : i32
        %dma_wait3A_71 = tpu.memref_slice %arg7[%run_scoped3A_49, %dma_wait3A] : memref<2x256xi32, #tpu.memory_space<vmem>> -> memref<1x256xi32, #tpu.memory_space<vmem>>
        %dma_wait3A_72 = tpu.memref_squeeze %dma_wait3A_71 : memref<1x256xi32, #tpu.memory_space<vmem>> -> memref<256xi32, #tpu.memory_space<vmem>>
        %dma_wait3A_73 = arith.constant 99328 : i32
        %dma_wait3A_74 = tpu.memref_slice %arg3[%dma_wait3A_73] : memref<100096xi32, #tpu.memory_space<hbm>> -> memref<256xi32, #tpu.memory_space<hbm>>
        %dma_wait3A_75 = arith.constant 0 : i32
        %dma_wait3A_76 = tpu.memref_slice %arg7[%run_scoped3A_49, %dma_wait3A_75] : memref<2x256xi32, #tpu.memory_space<vmem>> -> memref<1x256xi32, #tpu.memory_space<vmem>>
        %dma_wait3A_77 = tpu.memref_squeeze %dma_wait3A_76 : memref<1x256xi32, #tpu.memory_space<vmem>> -> memref<256xi32, #tpu.memory_space<vmem>>
        %dma_wait3A_78 = arith.constant 99328 : i32
        %dma_wait3A_79 = tpu.memref_slice %arg3[%dma_wait3A_78] : memref<100096xi32, #tpu.memory_space<hbm>> -> memref<256xi32, #tpu.memory_space<hbm>>
        tpu.wait_dma2 semaphore(%run_scoped3A_60 : memref<!tpu.dma_semaphore, #tpu.memory_space<semaphore_mem>>) src(%dma_wait3A_79 : memref<256xi32, #tpu.memory_space<hbm>>) dst(%dma_wait3A_77 : memref<256xi32, #tpu.memory_space<vmem>>)
        tpu.yield
      }) : () -> ()
      %run_scoped3A_50 = arith.constant 0 : i32
      %run_scoped3A_51 = arith.constant 0 : i32
      "tpu.region"() ({
        %run_scoped3A_60 = tpu.sem_alloc : memref<!tpu.dma_semaphore, #tpu.memory_space<semaphore_mem>>
        %dma_start3A_61 = arith.constant 0 : i32
        %dma_start3A_62 = arith.constant 0 : i32
        %dma_start3A_63 = tpu.memref_slice %arg6[%run_scoped3A_50, %dma_start3A_61, %dma_start3A_62] : memref<2x256x128xf32, #tpu.memory_space<vmem>> -> memref<1x256x128xf32, #tpu.memory_space<vmem>>
        %dma_start3A_64 = tpu.memref_squeeze %dma_start3A_63 : memref<1x256x128xf32, #tpu.memory_space<vmem>> -> memref<256x128xf32, #tpu.memory_space<vmem>>
        %dma_start3A_65 = arith.constant 0 : i32
        %dma_start3A_66 = tpu.memref_slice %arg7[%run_scoped3A_51, %dma_start3A_65] : memref<2x256xi32, #tpu.memory_space<vmem>> -> memref<1x256xi32, #tpu.memory_space<vmem>>
        %dma_start3A_67 = tpu.memref_squeeze %dma_start3A_66 : memref<1x256xi32, #tpu.memory_space<vmem>> -> memref<256xi32, #tpu.memory_space<vmem>>
        %dma_start3A_68 = arith.constant 0 : i32
        %dma_start3A_69 = arith.constant 0 : i32
        %dma_start3A_70 = tpu.memref_slice %arg8[%dma_start3A_68, %dma_start3A_69] : memref<65x128xf32, #tpu.memory_space<vmem_shared>> -> memref<65x128xf32, #tpu.memory_space<vmem_shared>>
        tpu.enqueue_indirect_dma source(%dma_start3A_64 : memref<256x128xf32, #tpu.memory_space<vmem>>) target(%dma_start3A_70 : memref<65x128xf32, #tpu.memory_space<vmem_shared>>) offsets(%dma_start3A_67 : memref<256xi32, #tpu.memory_space<vmem>>) semaphore(%run_scoped3A_60 : memref<!tpu.dma_semaphore, #tpu.memory_space<semaphore_mem>>) {add = true}
        %dma_wait3A = arith.constant 0 : i32
        %dma_wait3A_71 = arith.constant 0 : i32
        %dma_wait3A_72 = tpu.memref_slice %arg6[%run_scoped3A_50, %dma_wait3A, %dma_wait3A_71] : memref<2x256x128xf32, #tpu.memory_space<vmem>> -> memref<1x256x128xf32, #tpu.memory_space<vmem>>
        %dma_wait3A_73 = tpu.memref_squeeze %dma_wait3A_72 : memref<1x256x128xf32, #tpu.memory_space<vmem>> -> memref<256x128xf32, #tpu.memory_space<vmem>>
        %dma_wait3A_74 = arith.constant 0 : i32
        %dma_wait3A_75 = tpu.memref_slice %arg7[%run_scoped3A_51, %dma_wait3A_74] : memref<2x256xi32, #tpu.memory_space<vmem>> -> memref<1x256xi32, #tpu.memory_space<vmem>>
        %dma_wait3A_76 = tpu.memref_squeeze %dma_wait3A_75 : memref<1x256xi32, #tpu.memory_space<vmem>> -> memref<256xi32, #tpu.memory_space<vmem>>
        %dma_wait3A_77 = arith.constant 0 : i32
        %dma_wait3A_78 = arith.constant 0 : i32
        %dma_wait3A_79 = tpu.memref_slice %arg8[%dma_wait3A_77, %dma_wait3A_78] : memref<65x128xf32, #tpu.memory_space<vmem_shared>> -> memref<65x128xf32, #tpu.memory_space<vmem_shared>>
        tpu.wait_indirect_dma semaphore(%run_scoped3A_60 : memref<!tpu.dma_semaphore, #tpu.memory_space<semaphore_mem>>) src(%dma_wait3A_73 : memref<256x128xf32, #tpu.memory_space<vmem>>) dst(%dma_wait3A_79 : memref<65x128xf32, #tpu.memory_space<vmem_shared>>)
        tpu.yield
      }) : () -> ()
      %run_scoped3A_52 = arith.constant 0 : i32
      "tpu.region"() ({
        %run_scoped3A_60 = tpu.sem_alloc : memref<!tpu.dma_semaphore, #tpu.memory_space<semaphore_mem>>
        %dma_start3A_61 = arith.constant 0 : i32
        %dma_start3A_62 = arith.constant 0 : i32
        %dma_start3A_63 = tpu.memref_slice %arg6[%run_scoped3A_52, %dma_start3A_61, %dma_start3A_62] : memref<2x256x128xf32, #tpu.memory_space<vmem>> -> memref<1x256x128xf32, #tpu.memory_space<vmem>>
        %dma_start3A_64 = tpu.memref_squeeze %dma_start3A_63 : memref<1x256x128xf32, #tpu.memory_space<vmem>> -> memref<256x128xf32, #tpu.memory_space<vmem>>
        %dma_start3A_65 = arith.constant 99584 : i32
        %dma_start3A_66 = arith.constant 0 : i32
        %dma_start3A_67 = tpu.memref_slice %arg2[%dma_start3A_65, %dma_start3A_66] : memref<100000x128xf32, #tpu.memory_space<hbm>> -> memref<256x128xf32, #tpu.memory_space<hbm>>
        %dma_start3A_68 = arith.constant 0 : i32
        %dma_start3A_69 = arith.constant 0 : i32
        %dma_start3A_70 = tpu.memref_slice %arg6[%run_scoped3A_52, %dma_start3A_68, %dma_start3A_69] : memref<2x256x128xf32, #tpu.memory_space<vmem>> -> memref<1x256x128xf32, #tpu.memory_space<vmem>>
        %dma_start3A_71 = tpu.memref_squeeze %dma_start3A_70 : memref<1x256x128xf32, #tpu.memory_space<vmem>> -> memref<256x128xf32, #tpu.memory_space<vmem>>
        %dma_start3A_72 = arith.constant 99584 : i32
        %dma_start3A_73 = arith.constant 0 : i32
        %dma_start3A_74 = tpu.memref_slice %arg2[%dma_start3A_72, %dma_start3A_73] : memref<100000x128xf32, #tpu.memory_space<hbm>> -> memref<256x128xf32, #tpu.memory_space<hbm>>
        tpu.enqueue_dma source(%dma_start3A_74 : memref<256x128xf32, #tpu.memory_space<hbm>>) target(%dma_start3A_71 : memref<256x128xf32, #tpu.memory_space<vmem>>) target_semaphore(%run_scoped3A_60 : memref<!tpu.dma_semaphore, #tpu.memory_space<semaphore_mem>>)
        %dma_wait3A = arith.constant 0 : i32
        %dma_wait3A_75 = arith.constant 0 : i32
        %dma_wait3A_76 = tpu.memref_slice %arg6[%run_scoped3A_52, %dma_wait3A, %dma_wait3A_75] : memref<2x256x128xf32, #tpu.memory_space<vmem>> -> memref<1x256x128xf32, #tpu.memory_space<vmem>>
        %dma_wait3A_77 = tpu.memref_squeeze %dma_wait3A_76 : memref<1x256x128xf32, #tpu.memory_space<vmem>> -> memref<256x128xf32, #tpu.memory_space<vmem>>
        %dma_wait3A_78 = arith.constant 99584 : i32
        %dma_wait3A_79 = arith.constant 0 : i32
        %dma_wait3A_80 = tpu.memref_slice %arg2[%dma_wait3A_78, %dma_wait3A_79] : memref<100000x128xf32, #tpu.memory_space<hbm>> -> memref<256x128xf32, #tpu.memory_space<hbm>>
        %dma_wait3A_81 = arith.constant 0 : i32
        %dma_wait3A_82 = arith.constant 0 : i32
        %dma_wait3A_83 = tpu.memref_slice %arg6[%run_scoped3A_52, %dma_wait3A_81, %dma_wait3A_82] : memref<2x256x128xf32, #tpu.memory_space<vmem>> -> memref<1x256x128xf32, #tpu.memory_space<vmem>>
        %dma_wait3A_84 = tpu.memref_squeeze %dma_wait3A_83 : memref<1x256x128xf32, #tpu.memory_space<vmem>> -> memref<256x128xf32, #tpu.memory_space<vmem>>
        %dma_wait3A_85 = arith.constant 99584 : i32
        %dma_wait3A_86 = arith.constant 0 : i32
        %dma_wait3A_87 = tpu.memref_slice %arg2[%dma_wait3A_85, %dma_wait3A_86] : memref<100000x128xf32, #tpu.memory_space<hbm>> -> memref<256x128xf32, #tpu.memory_space<hbm>>
        tpu.wait_dma2 semaphore(%run_scoped3A_60 : memref<!tpu.dma_semaphore, #tpu.memory_space<semaphore_mem>>) src(%dma_wait3A_87 : memref<256x128xf32, #tpu.memory_space<hbm>>) dst(%dma_wait3A_84 : memref<256x128xf32, #tpu.memory_space<vmem>>)
        tpu.yield
      }) : () -> ()
      %run_scoped3A_53 = arith.constant 0 : i32
      "tpu.region"() ({
        %run_scoped3A_60 = tpu.sem_alloc : memref<!tpu.dma_semaphore, #tpu.memory_space<semaphore_mem>>
        %dma_start3A_61 = arith.constant 0 : i32
        %dma_start3A_62 = tpu.memref_slice %arg7[%run_scoped3A_53, %dma_start3A_61] : memref<2x256xi32, #tpu.memory_space<vmem>> -> memref<1x256xi32, #tpu.memory_space<vmem>>
        %dma_start3A_63 = tpu.memref_squeeze %dma_start3A_62 : memref<1x256xi32, #tpu.memory_space<vmem>> -> memref<256xi32, #tpu.memory_space<vmem>>
        %dma_start3A_64 = arith.constant 99584 : i32
        %dma_start3A_65 = tpu.memref_slice %arg3[%dma_start3A_64] : memref<100096xi32, #tpu.memory_space<hbm>> -> memref<256xi32, #tpu.memory_space<hbm>>
        %dma_start3A_66 = arith.constant 0 : i32
        %dma_start3A_67 = tpu.memref_slice %arg7[%run_scoped3A_53, %dma_start3A_66] : memref<2x256xi32, #tpu.memory_space<vmem>> -> memref<1x256xi32, #tpu.memory_space<vmem>>
        %dma_start3A_68 = tpu.memref_squeeze %dma_start3A_67 : memref<1x256xi32, #tpu.memory_space<vmem>> -> memref<256xi32, #tpu.memory_space<vmem>>
        %dma_start3A_69 = arith.constant 99584 : i32
        %dma_start3A_70 = tpu.memref_slice %arg3[%dma_start3A_69] : memref<100096xi32, #tpu.memory_space<hbm>> -> memref<256xi32, #tpu.memory_space<hbm>>
        tpu.enqueue_dma source(%dma_start3A_70 : memref<256xi32, #tpu.memory_space<hbm>>) target(%dma_start3A_68 : memref<256xi32, #tpu.memory_space<vmem>>) target_semaphore(%run_scoped3A_60 : memref<!tpu.dma_semaphore, #tpu.memory_space<semaphore_mem>>)
        %dma_wait3A = arith.constant 0 : i32
        %dma_wait3A_71 = tpu.memref_slice %arg7[%run_scoped3A_53, %dma_wait3A] : memref<2x256xi32, #tpu.memory_space<vmem>> -> memref<1x256xi32, #tpu.memory_space<vmem>>
        %dma_wait3A_72 = tpu.memref_squeeze %dma_wait3A_71 : memref<1x256xi32, #tpu.memory_space<vmem>> -> memref<256xi32, #tpu.memory_space<vmem>>
        %dma_wait3A_73 = arith.constant 99584 : i32
        %dma_wait3A_74 = tpu.memref_slice %arg3[%dma_wait3A_73] : memref<100096xi32, #tpu.memory_space<hbm>> -> memref<256xi32, #tpu.memory_space<hbm>>
        %dma_wait3A_75 = arith.constant 0 : i32
        %dma_wait3A_76 = tpu.memref_slice %arg7[%run_scoped3A_53, %dma_wait3A_75] : memref<2x256xi32, #tpu.memory_space<vmem>> -> memref<1x256xi32, #tpu.memory_space<vmem>>
        %dma_wait3A_77 = tpu.memref_squeeze %dma_wait3A_76 : memref<1x256xi32, #tpu.memory_space<vmem>> -> memref<256xi32, #tpu.memory_space<vmem>>
        %dma_wait3A_78 = arith.constant 99584 : i32
        %dma_wait3A_79 = tpu.memref_slice %arg3[%dma_wait3A_78] : memref<100096xi32, #tpu.memory_space<hbm>> -> memref<256xi32, #tpu.memory_space<hbm>>
        tpu.wait_dma2 semaphore(%run_scoped3A_60 : memref<!tpu.dma_semaphore, #tpu.memory_space<semaphore_mem>>) src(%dma_wait3A_79 : memref<256xi32, #tpu.memory_space<hbm>>) dst(%dma_wait3A_77 : memref<256xi32, #tpu.memory_space<vmem>>)
        tpu.yield
      }) : () -> ()
      %run_scoped3A_54 = arith.constant 0 : i32
      %run_scoped3A_55 = arith.constant 0 : i32
      "tpu.region"() ({
        %run_scoped3A_60 = tpu.sem_alloc : memref<!tpu.dma_semaphore, #tpu.memory_space<semaphore_mem>>
        %dma_start3A_61 = arith.constant 0 : i32
        %dma_start3A_62 = arith.constant 0 : i32
        %dma_start3A_63 = tpu.memref_slice %arg6[%run_scoped3A_54, %dma_start3A_61, %dma_start3A_62] : memref<2x256x128xf32, #tpu.memory_space<vmem>> -> memref<1x256x128xf32, #tpu.memory_space<vmem>>
        %dma_start3A_64 = tpu.memref_squeeze %dma_start3A_63 : memref<1x256x128xf32, #tpu.memory_space<vmem>> -> memref<256x128xf32, #tpu.memory_space<vmem>>
        %dma_start3A_65 = arith.constant 0 : i32
        %dma_start3A_66 = tpu.memref_slice %arg7[%run_scoped3A_55, %dma_start3A_65] : memref<2x256xi32, #tpu.memory_space<vmem>> -> memref<1x256xi32, #tpu.memory_space<vmem>>
        %dma_start3A_67 = tpu.memref_squeeze %dma_start3A_66 : memref<1x256xi32, #tpu.memory_space<vmem>> -> memref<256xi32, #tpu.memory_space<vmem>>
        %dma_start3A_68 = arith.constant 0 : i32
        %dma_start3A_69 = arith.constant 0 : i32
        %dma_start3A_70 = tpu.memref_slice %arg8[%dma_start3A_68, %dma_start3A_69] : memref<65x128xf32, #tpu.memory_space<vmem_shared>> -> memref<65x128xf32, #tpu.memory_space<vmem_shared>>
        tpu.enqueue_indirect_dma source(%dma_start3A_64 : memref<256x128xf32, #tpu.memory_space<vmem>>) target(%dma_start3A_70 : memref<65x128xf32, #tpu.memory_space<vmem_shared>>) offsets(%dma_start3A_67 : memref<256xi32, #tpu.memory_space<vmem>>) semaphore(%run_scoped3A_60 : memref<!tpu.dma_semaphore, #tpu.memory_space<semaphore_mem>>) {add = true}
        %dma_wait3A = arith.constant 0 : i32
        %dma_wait3A_71 = arith.constant 0 : i32
        %dma_wait3A_72 = tpu.memref_slice %arg6[%run_scoped3A_54, %dma_wait3A, %dma_wait3A_71] : memref<2x256x128xf32, #tpu.memory_space<vmem>> -> memref<1x256x128xf32, #tpu.memory_space<vmem>>
        %dma_wait3A_73 = tpu.memref_squeeze %dma_wait3A_72 : memref<1x256x128xf32, #tpu.memory_space<vmem>> -> memref<256x128xf32, #tpu.memory_space<vmem>>
        %dma_wait3A_74 = arith.constant 0 : i32
        %dma_wait3A_75 = tpu.memref_slice %arg7[%run_scoped3A_55, %dma_wait3A_74] : memref<2x256xi32, #tpu.memory_space<vmem>> -> memref<1x256xi32, #tpu.memory_space<vmem>>
        %dma_wait3A_76 = tpu.memref_squeeze %dma_wait3A_75 : memref<1x256xi32, #tpu.memory_space<vmem>> -> memref<256xi32, #tpu.memory_space<vmem>>
        %dma_wait3A_77 = arith.constant 0 : i32
        %dma_wait3A_78 = arith.constant 0 : i32
        %dma_wait3A_79 = tpu.memref_slice %arg8[%dma_wait3A_77, %dma_wait3A_78] : memref<65x128xf32, #tpu.memory_space<vmem_shared>> -> memref<65x128xf32, #tpu.memory_space<vmem_shared>>
        tpu.wait_indirect_dma semaphore(%run_scoped3A_60 : memref<!tpu.dma_semaphore, #tpu.memory_space<semaphore_mem>>) src(%dma_wait3A_73 : memref<256x128xf32, #tpu.memory_space<vmem>>) dst(%dma_wait3A_79 : memref<65x128xf32, #tpu.memory_space<vmem_shared>>)
        tpu.yield
      }) : () -> ()
      %run_scoped3A_56 = arith.constant 0 : i32
      "tpu.region"() ({
        %run_scoped3A_60 = tpu.sem_alloc : memref<!tpu.dma_semaphore, #tpu.memory_space<semaphore_mem>>
        %dma_start3A_61 = arith.constant 0 : i32
        %dma_start3A_62 = arith.constant 0 : i32
        %dma_start3A_63 = tpu.memref_slice %arg6[%run_scoped3A_56, %dma_start3A_61, %dma_start3A_62] : memref<2x256x128xf32, #tpu.memory_space<vmem>> -> memref<1x160x128xf32, #tpu.memory_space<vmem>>
        %dma_start3A_64 = tpu.memref_squeeze %dma_start3A_63 : memref<1x160x128xf32, #tpu.memory_space<vmem>> -> memref<160x128xf32, #tpu.memory_space<vmem>>
        %dma_start3A_65 = arith.constant 99840 : i32
        %dma_start3A_66 = arith.constant 0 : i32
        %dma_start3A_67 = tpu.memref_slice %arg2[%dma_start3A_65, %dma_start3A_66] : memref<100000x128xf32, #tpu.memory_space<hbm>> -> memref<160x128xf32, #tpu.memory_space<hbm>>
        %dma_start3A_68 = arith.constant 0 : i32
        %dma_start3A_69 = arith.constant 0 : i32
        %dma_start3A_70 = tpu.memref_slice %arg6[%run_scoped3A_56, %dma_start3A_68, %dma_start3A_69] : memref<2x256x128xf32, #tpu.memory_space<vmem>> -> memref<1x160x128xf32, #tpu.memory_space<vmem>>
        %dma_start3A_71 = tpu.memref_squeeze %dma_start3A_70 : memref<1x160x128xf32, #tpu.memory_space<vmem>> -> memref<160x128xf32, #tpu.memory_space<vmem>>
        %dma_start3A_72 = arith.constant 99840 : i32
        %dma_start3A_73 = arith.constant 0 : i32
        %dma_start3A_74 = tpu.memref_slice %arg2[%dma_start3A_72, %dma_start3A_73] : memref<100000x128xf32, #tpu.memory_space<hbm>> -> memref<160x128xf32, #tpu.memory_space<hbm>>
        tpu.enqueue_dma source(%dma_start3A_74 : memref<160x128xf32, #tpu.memory_space<hbm>>) target(%dma_start3A_71 : memref<160x128xf32, #tpu.memory_space<vmem>>) target_semaphore(%run_scoped3A_60 : memref<!tpu.dma_semaphore, #tpu.memory_space<semaphore_mem>>)
        %dma_wait3A = arith.constant 0 : i32
        %dma_wait3A_75 = arith.constant 0 : i32
        %dma_wait3A_76 = tpu.memref_slice %arg6[%run_scoped3A_56, %dma_wait3A, %dma_wait3A_75] : memref<2x256x128xf32, #tpu.memory_space<vmem>> -> memref<1x160x128xf32, #tpu.memory_space<vmem>>
        %dma_wait3A_77 = tpu.memref_squeeze %dma_wait3A_76 : memref<1x160x128xf32, #tpu.memory_space<vmem>> -> memref<160x128xf32, #tpu.memory_space<vmem>>
        %dma_wait3A_78 = arith.constant 99840 : i32
        %dma_wait3A_79 = arith.constant 0 : i32
        %dma_wait3A_80 = tpu.memref_slice %arg2[%dma_wait3A_78, %dma_wait3A_79] : memref<100000x128xf32, #tpu.memory_space<hbm>> -> memref<160x128xf32, #tpu.memory_space<hbm>>
        %dma_wait3A_81 = arith.constant 0 : i32
        %dma_wait3A_82 = arith.constant 0 : i32
        %dma_wait3A_83 = tpu.memref_slice %arg6[%run_scoped3A_56, %dma_wait3A_81, %dma_wait3A_82] : memref<2x256x128xf32, #tpu.memory_space<vmem>> -> memref<1x160x128xf32, #tpu.memory_space<vmem>>
        %dma_wait3A_84 = tpu.memref_squeeze %dma_wait3A_83 : memref<1x160x128xf32, #tpu.memory_space<vmem>> -> memref<160x128xf32, #tpu.memory_space<vmem>>
        %dma_wait3A_85 = arith.constant 99840 : i32
        %dma_wait3A_86 = arith.constant 0 : i32
        %dma_wait3A_87 = tpu.memref_slice %arg2[%dma_wait3A_85, %dma_wait3A_86] : memref<100000x128xf32, #tpu.memory_space<hbm>> -> memref<160x128xf32, #tpu.memory_space<hbm>>
        tpu.wait_dma2 semaphore(%run_scoped3A_60 : memref<!tpu.dma_semaphore, #tpu.memory_space<semaphore_mem>>) src(%dma_wait3A_87 : memref<160x128xf32, #tpu.memory_space<hbm>>) dst(%dma_wait3A_84 : memref<160x128xf32, #tpu.memory_space<vmem>>)
        tpu.yield
      }) : () -> ()
      %run_scoped3A_57 = arith.constant 0 : i32
      "tpu.region"() ({
        %run_scoped3A_60 = tpu.sem_alloc : memref<!tpu.dma_semaphore, #tpu.memory_space<semaphore_mem>>
        %dma_start3A_61 = arith.constant 0 : i32
        %dma_start3A_62 = tpu.memref_slice %arg7[%run_scoped3A_57, %dma_start3A_61] : memref<2x256xi32, #tpu.memory_space<vmem>> -> memref<1x256xi32, #tpu.memory_space<vmem>>
        %dma_start3A_63 = tpu.memref_squeeze %dma_start3A_62 : memref<1x256xi32, #tpu.memory_space<vmem>> -> memref<256xi32, #tpu.memory_space<vmem>>
        %dma_start3A_64 = arith.constant 99840 : i32
        %dma_start3A_65 = tpu.memref_slice %arg3[%dma_start3A_64] : memref<100096xi32, #tpu.memory_space<hbm>> -> memref<256xi32, #tpu.memory_space<hbm>>
        %dma_start3A_66 = arith.constant 0 : i32
        %dma_start3A_67 = tpu.memref_slice %arg7[%run_scoped3A_57, %dma_start3A_66] : memref<2x256xi32, #tpu.memory_space<vmem>> -> memref<1x256xi32, #tpu.memory_space<vmem>>
        %dma_start3A_68 = tpu.memref_squeeze %dma_start3A_67 : memref<1x256xi32, #tpu.memory_space<vmem>> -> memref<256xi32, #tpu.memory_space<vmem>>
        %dma_start3A_69 = arith.constant 99840 : i32
        %dma_start3A_70 = tpu.memref_slice %arg3[%dma_start3A_69] : memref<100096xi32, #tpu.memory_space<hbm>> -> memref<256xi32, #tpu.memory_space<hbm>>
        tpu.enqueue_dma source(%dma_start3A_70 : memref<256xi32, #tpu.memory_space<hbm>>) target(%dma_start3A_68 : memref<256xi32, #tpu.memory_space<vmem>>) target_semaphore(%run_scoped3A_60 : memref<!tpu.dma_semaphore, #tpu.memory_space<semaphore_mem>>)
        %dma_wait3A = arith.constant 0 : i32
        %dma_wait3A_71 = tpu.memref_slice %arg7[%run_scoped3A_57, %dma_wait3A] : memref<2x256xi32, #tpu.memory_space<vmem>> -> memref<1x256xi32, #tpu.memory_space<vmem>>
        %dma_wait3A_72 = tpu.memref_squeeze %dma_wait3A_71 : memref<1x256xi32, #tpu.memory_space<vmem>> -> memref<256xi32, #tpu.memory_space<vmem>>
        %dma_wait3A_73 = arith.constant 99840 : i32
        %dma_wait3A_74 = tpu.memref_slice %arg3[%dma_wait3A_73] : memref<100096xi32, #tpu.memory_space<hbm>> -> memref<256xi32, #tpu.memory_space<hbm>>
        %dma_wait3A_75 = arith.constant 0 : i32
        %dma_wait3A_76 = tpu.memref_slice %arg7[%run_scoped3A_57, %dma_wait3A_75] : memref<2x256xi32, #tpu.memory_space<vmem>> -> memref<1x256xi32, #tpu.memory_space<vmem>>
        %dma_wait3A_77 = tpu.memref_squeeze %dma_wait3A_76 : memref<1x256xi32, #tpu.memory_space<vmem>> -> memref<256xi32, #tpu.memory_space<vmem>>
        %dma_wait3A_78 = arith.constant 99840 : i32
        %dma_wait3A_79 = tpu.memref_slice %arg3[%dma_wait3A_78] : memref<100096xi32, #tpu.memory_space<hbm>> -> memref<256xi32, #tpu.memory_space<hbm>>
        tpu.wait_dma2 semaphore(%run_scoped3A_60 : memref<!tpu.dma_semaphore, #tpu.memory_space<semaphore_mem>>) src(%dma_wait3A_79 : memref<256xi32, #tpu.memory_space<hbm>>) dst(%dma_wait3A_77 : memref<256xi32, #tpu.memory_space<vmem>>)
        tpu.yield
      }) : () -> ()
      %run_scoped3A_58 = arith.constant 0 : i32
      %run_scoped3A_59 = arith.constant 0 : i32
      "tpu.region"() ({
        %run_scoped3A_60 = tpu.sem_alloc : memref<!tpu.dma_semaphore, #tpu.memory_space<semaphore_mem>>
        %dma_start3A_61 = arith.constant 0 : i32
        %dma_start3A_62 = arith.constant 0 : i32
        %dma_start3A_63 = tpu.memref_slice %arg6[%run_scoped3A_58, %dma_start3A_61, %dma_start3A_62] : memref<2x256x128xf32, #tpu.memory_space<vmem>> -> memref<1x256x128xf32, #tpu.memory_space<vmem>>
        %dma_start3A_64 = tpu.memref_squeeze %dma_start3A_63 : memref<1x256x128xf32, #tpu.memory_space<vmem>> -> memref<256x128xf32, #tpu.memory_space<vmem>>
        %dma_start3A_65 = arith.constant 0 : i32
        %dma_start3A_66 = tpu.memref_slice %arg7[%run_scoped3A_59, %dma_start3A_65] : memref<2x256xi32, #tpu.memory_space<vmem>> -> memref<1x256xi32, #tpu.memory_space<vmem>>
        %dma_start3A_67 = tpu.memref_squeeze %dma_start3A_66 : memref<1x256xi32, #tpu.memory_space<vmem>> -> memref<256xi32, #tpu.memory_space<vmem>>
        %dma_start3A_68 = arith.constant 0 : i32
        %dma_start3A_69 = arith.constant 0 : i32
        %dma_start3A_70 = tpu.memref_slice %arg8[%dma_start3A_68, %dma_start3A_69] : memref<65x128xf32, #tpu.memory_space<vmem_shared>> -> memref<65x128xf32, #tpu.memory_space<vmem_shared>>
        tpu.enqueue_indirect_dma source(%dma_start3A_64 : memref<256x128xf32, #tpu.memory_space<vmem>>) target(%dma_start3A_70 : memref<65x128xf32, #tpu.memory_space<vmem_shared>>) offsets(%dma_start3A_67 : memref<256xi32, #tpu.memory_space<vmem>>) semaphore(%run_scoped3A_60 : memref<!tpu.dma_semaphore, #tpu.memory_space<semaphore_mem>>) {add = true}
        %dma_wait3A = arith.constant 0 : i32
        %dma_wait3A_71 = arith.constant 0 : i32
        %dma_wait3A_72 = tpu.memref_slice %arg6[%run_scoped3A_58, %dma_wait3A, %dma_wait3A_71] : memref<2x256x128xf32, #tpu.memory_space<vmem>> -> memref<1x256x128xf32, #tpu.memory_space<vmem>>
        %dma_wait3A_73 = tpu.memref_squeeze %dma_wait3A_72 : memref<1x256x128xf32, #tpu.memory_space<vmem>> -> memref<256x128xf32, #tpu.memory_space<vmem>>
        %dma_wait3A_74 = arith.constant 0 : i32
        %dma_wait3A_75 = tpu.memref_slice %arg7[%run_scoped3A_59, %dma_wait3A_74] : memref<2x256xi32, #tpu.memory_space<vmem>> -> memref<1x256xi32, #tpu.memory_space<vmem>>
        %dma_wait3A_76 = tpu.memref_squeeze %dma_wait3A_75 : memref<1x256xi32, #tpu.memory_space<vmem>> -> memref<256xi32, #tpu.memory_space<vmem>>
        %dma_wait3A_77 = arith.constant 0 : i32
        %dma_wait3A_78 = arith.constant 0 : i32
        %dma_wait3A_79 = tpu.memref_slice %arg8[%dma_wait3A_77, %dma_wait3A_78] : memref<65x128xf32, #tpu.memory_space<vmem_shared>> -> memref<65x128xf32, #tpu.memory_space<vmem_shared>>
        tpu.wait_indirect_dma semaphore(%run_scoped3A_60 : memref<!tpu.dma_semaphore, #tpu.memory_space<semaphore_mem>>) src(%dma_wait3A_73 : memref<256x128xf32, #tpu.memory_space<vmem>>) dst(%dma_wait3A_79 : memref<65x128xf32, #tpu.memory_space<vmem_shared>>)
        tpu.yield
      }) : () -> ()
    } else {
    }
    %barrier3A_43 = arith.constant 0 : index
    tpu.barrier barrier_id(%barrier3A_43)
    %eq3A_44 = arith.constant 0 : i32
    %eq3A_45 = arith.cmpi eq, %arg1, %eq3A_44 : i32
    %convert_element_type3A_46 = arith.extui %eq3A_45 : i1 to i32
    %cond3A_47 = arith.constant 0 : i32
    %cond3A_48 = arith.cmpi ne, %convert_element_type3A_46, %cond3A_47 : i32
    scf.if %cond3A_48 {
      "tpu.region"() ({
        %run_scoped3A = tpu.sem_alloc : memref<!tpu.dma_semaphore, #tpu.memory_space<semaphore_mem>>
        %dma_start3A_49 = arith.constant 0 : i32
        %dma_start3A_50 = arith.constant 0 : i32
        %dma_start3A_51 = tpu.memref_slice %arg5[%arg0, %dma_start3A_49, %dma_start3A_50] : memref<2x64x128xf32, #tpu.memory_space<hbm>> -> memref<1x64x128xf32, #tpu.memory_space<hbm>>
        %dma_start3A_52 = tpu.memref_squeeze %dma_start3A_51 : memref<1x64x128xf32, #tpu.memory_space<hbm>> -> memref<64x128xf32, #tpu.memory_space<hbm>>
        %dma_start3A_53 = arith.constant 0 : i32
        %dma_start3A_54 = arith.constant 0 : i32
        %dma_start3A_55 = tpu.memref_slice %arg8[%dma_start3A_53, %dma_start3A_54] : memref<65x128xf32, #tpu.memory_space<vmem_shared>> -> memref<64x128xf32, #tpu.memory_space<vmem_shared>>
        tpu.enqueue_dma source(%dma_start3A_55 : memref<64x128xf32, #tpu.memory_space<vmem_shared>>) target(%dma_start3A_52 : memref<64x128xf32, #tpu.memory_space<hbm>>) target_semaphore(%run_scoped3A : memref<!tpu.dma_semaphore, #tpu.memory_space<semaphore_mem>>)
        %dma_wait3A = arith.constant 0 : i32
        %dma_wait3A_56 = arith.constant 0 : i32
        %dma_wait3A_57 = tpu.memref_slice %arg5[%arg0, %dma_wait3A, %dma_wait3A_56] : memref<2x64x128xf32, #tpu.memory_space<hbm>> -> memref<1x64x128xf32, #tpu.memory_space<hbm>>
        %dma_wait3A_58 = tpu.memref_squeeze %dma_wait3A_57 : memref<1x64x128xf32, #tpu.memory_space<hbm>> -> memref<64x128xf32, #tpu.memory_space<hbm>>
        %dma_wait3A_59 = arith.constant 0 : i32
        %dma_wait3A_60 = arith.constant 0 : i32
        %dma_wait3A_61 = tpu.memref_slice %arg8[%dma_wait3A_59, %dma_wait3A_60] : memref<65x128xf32, #tpu.memory_space<vmem_shared>> -> memref<64x128xf32, #tpu.memory_space<vmem_shared>>
        tpu.wait_dma2 semaphore(%run_scoped3A : memref<!tpu.dma_semaphore, #tpu.memory_space<semaphore_mem>>) src(%dma_wait3A_61 : memref<64x128xf32, #tpu.memory_space<vmem_shared>>) dst(%dma_wait3A_58 : memref<64x128xf32, #tpu.memory_space<hbm>>)
        tpu.yield
      }) : () -> ()
    } else {
    }
    return
  }
}

module attributes {stable_mosaic.version = 14 : i64} {
  func.func @_mlp_body(%arg0: memref<64x32xf32, #tpu.memory_space<vmem>>, %arg1: memref<2x64x128xf32, #tpu.memory_space<vmem>>, %arg2: memref<64x16xf32, #tpu.memory_space<vmem>>, %arg3: memref<176x128xf32, #tpu.memory_space<vmem>>, %arg4: memref<1x128xf32, #tpu.memory_space<vmem>>, %arg5: memref<128x128xf32, #tpu.memory_space<vmem>>, %arg6: memref<1x128xf32, #tpu.memory_space<vmem>>, %arg7: memref<1x128xf32, #tpu.memory_space<vmem>>, %arg8: memref<1x128xf32, #tpu.memory_space<vmem>>, %arg9: memref<64x128xf32, #tpu.memory_space<vmem>>) attributes {dimension_semantics = [], scalar_prefetch = 0 : i64, scratch_operands = 0 : i64, tpu.core_type = #tpu.core_type<tc>} {
    %get3A = arith.constant 0 : index
    %get3A_0 = arith.constant 0 : index
    %get3A_1 = arith.constant 0 : index
    %get3A_2 = vector.load %arg1[%get3A, %get3A_0, %get3A_1] : memref<2x64x128xf32, #tpu.memory_space<vmem>>, vector<1x64x128xf32>
    %get3A_3 = vector.shape_cast %get3A_2 : vector<1x64x128xf32> to vector<64x128xf32>
    %get3A_4 = arith.constant 1 : index
    %get3A_5 = arith.constant 0 : index
    %get3A_6 = arith.constant 0 : index
    %get3A_7 = vector.load %arg1[%get3A_4, %get3A_5, %get3A_6] : memref<2x64x128xf32, #tpu.memory_space<vmem>>, vector<1x64x128xf32>
    %get3A_8 = vector.shape_cast %get3A_7 : vector<1x64x128xf32> to vector<64x128xf32>
    %add3A = arith.addf %get3A_3, %get3A_8 : vector<64x128xf32>
    %get3A_9 = arith.constant 0 : index
    %get3A_10 = arith.constant 0 : index
    %get3A_11 = vector.load %arg0[%get3A_9, %get3A_10] : memref<64x32xf32, #tpu.memory_space<vmem>>, vector<64x32xf32>
    %get3A_12 = arith.constant 0 : index
    %get3A_13 = arith.constant 0 : index
    %get3A_14 = vector.load %arg3[%get3A_12, %get3A_13] : memref<176x128xf32, #tpu.memory_space<vmem>>, vector<32x128xf32>
    %dot_general3A = arith.constant dense<0.000000e+00> : vector<64x128xf32>
    %dot_general3A_15 = tpu.matmul %get3A_11, %get3A_14, %dot_general3A {dimension_numbers = #tpu.dot_dimension_numbers<[1], [0], [0], [1], [0, 0, 1, 1], [], []>, transpose_lhs_hint = false} : vector<64x32xf32>, vector<32x128xf32>, vector<64x128xf32> -> vector<64x128xf32>
    %get3A_16 = arith.constant 32 : index
    %get3A_17 = arith.constant 0 : index
    %get3A_18 = vector.load %arg3[%get3A_16, %get3A_17] : memref<176x128xf32, #tpu.memory_space<vmem>>, vector<128x128xf32>
    %dot_general3A_19 = arith.constant dense<0.000000e+00> : vector<64x128xf32>
    %dot_general3A_20 = tpu.matmul %add3A, %get3A_18, %dot_general3A_19 {dimension_numbers = #tpu.dot_dimension_numbers<[1], [0], [0], [1], [0, 0, 1, 1], [], []>, transpose_lhs_hint = false} : vector<64x128xf32>, vector<128x128xf32>, vector<64x128xf32> -> vector<64x128xf32>
    %add3A_21 = arith.addf %dot_general3A_15, %dot_general3A_20 : vector<64x128xf32>
    %get3A_22 = arith.constant 0 : index
    %get3A_23 = arith.constant 0 : index
    %get3A_24 = vector.load %arg2[%get3A_22, %get3A_23] : memref<64x16xf32, #tpu.memory_space<vmem>>, vector<64x16xf32>
    %get3A_25 = arith.constant 160 : index
    %get3A_26 = arith.constant 0 : index
    %get3A_27 = vector.load %arg3[%get3A_25, %get3A_26] : memref<176x128xf32, #tpu.memory_space<vmem>>, vector<16x128xf32>
    %dot_general3A_28 = arith.constant dense<0.000000e+00> : vector<64x128xf32>
    %dot_general3A_29 = tpu.matmul %get3A_24, %get3A_27, %dot_general3A_28 {dimension_numbers = #tpu.dot_dimension_numbers<[1], [0], [0], [1], [0, 0, 1, 1], [], []>, transpose_lhs_hint = false} : vector<64x16xf32>, vector<16x128xf32>, vector<64x128xf32> -> vector<64x128xf32>
    %add3A_30 = arith.addf %add3A_21, %dot_general3A_29 : vector<64x128xf32>
    %get3A_31 = arith.constant 0 : index
    %get3A_32 = arith.constant 0 : index
    %get3A_33 = vector.load %arg4[%get3A_31, %get3A_32] : memref<1x128xf32, #tpu.memory_space<vmem>>, vector<1x128xf32>
    %add3A_34 = vector.broadcast %get3A_33 : vector<1x128xf32> to vector<64x128xf32>
    %add3A_35 = arith.addf %add3A_30, %add3A_34 : vector<64x128xf32>
    %max3A = arith.constant 0.000000e+00 : f32
    %max3A_36 = vector.broadcast %max3A : f32 to vector<64x128xf32>
    %max3A_37 = arith.maximumf %add3A_35, %max3A_36 : vector<64x128xf32>
    %get3A_38 = arith.constant 0 : index
    %get3A_39 = arith.constant 0 : index
    %get3A_40 = vector.load %arg5[%get3A_38, %get3A_39] : memref<128x128xf32, #tpu.memory_space<vmem>>, vector<128x128xf32>
    %dot_general3A_41 = arith.constant dense<0.000000e+00> : vector<64x128xf32>
    %dot_general3A_42 = tpu.matmul %max3A_37, %get3A_40, %dot_general3A_41 {dimension_numbers = #tpu.dot_dimension_numbers<[1], [0], [0], [1], [0, 0, 1, 1], [], []>, transpose_lhs_hint = false} : vector<64x128xf32>, vector<128x128xf32>, vector<64x128xf32> -> vector<64x128xf32>
    %get3A_43 = arith.constant 0 : index
    %get3A_44 = arith.constant 0 : index
    %get3A_45 = vector.load %arg6[%get3A_43, %get3A_44] : memref<1x128xf32, #tpu.memory_space<vmem>>, vector<1x128xf32>
    %add3A_46 = vector.broadcast %get3A_45 : vector<1x128xf32> to vector<64x128xf32>
    %add3A_47 = arith.addf %dot_general3A_42, %add3A_46 : vector<64x128xf32>
    %reduce_sum3A = arith.constant dense<0.000000e+00> : vector<64xf32>
    %reduce_sum3A_48 = vector.multi_reduction <add>, %add3A_47, %reduce_sum3A [1] : vector<64x128xf32> to vector<64xf32>
    %broadcast_in_dim3A = vector.shape_cast %reduce_sum3A_48 : vector<64xf32> to vector<64x1xf32>
    %div3A = arith.constant 1.280000e+02 : f32
    %div3A_49 = vector.broadcast %div3A : f32 to vector<64x1xf32>
    %div3A_50 = arith.divf %broadcast_in_dim3A, %div3A_49 : vector<64x1xf32>
    %sub3A = vector.broadcast %div3A_50 : vector<64x1xf32> to vector<64x128xf32>
    %sub3A_51 = arith.subf %add3A_47, %sub3A : vector<64x128xf32>
    %integer_pow3A = arith.mulf %sub3A_51, %sub3A_51 : vector<64x128xf32>
    %reduce_sum3A_52 = arith.constant dense<0.000000e+00> : vector<64xf32>
    %reduce_sum3A_53 = vector.multi_reduction <add>, %integer_pow3A, %reduce_sum3A_52 [1] : vector<64x128xf32> to vector<64xf32>
    %broadcast_in_dim3A_54 = vector.shape_cast %reduce_sum3A_53 : vector<64xf32> to vector<64x1xf32>
    %div3A_55 = arith.constant 1.280000e+02 : f32
    %div3A_56 = vector.broadcast %div3A_55 : f32 to vector<64x1xf32>
    %div3A_57 = arith.divf %broadcast_in_dim3A_54, %div3A_56 : vector<64x1xf32>
    %sub3A_58 = vector.broadcast %div3A_50 : vector<64x1xf32> to vector<64x128xf32>
    %sub3A_59 = arith.subf %add3A_47, %sub3A_58 : vector<64x128xf32>
    %add3A_60 = arith.constant 9.99999974E-6 : f32
    %add3A_61 = vector.broadcast %add3A_60 : f32 to vector<64x1xf32>
    %add3A_62 = arith.addf %div3A_57, %add3A_61 : vector<64x1xf32>
    %rsqrt3A = math.rsqrt %add3A_62 : vector<64x1xf32>
    %mul3A = vector.broadcast %rsqrt3A : vector<64x1xf32> to vector<64x128xf32>
    %mul3A_63 = arith.mulf %sub3A_59, %mul3A : vector<64x128xf32>
    %get3A_64 = arith.constant 0 : index
    %get3A_65 = arith.constant 0 : index
    %get3A_66 = vector.load %arg7[%get3A_64, %get3A_65] : memref<1x128xf32, #tpu.memory_space<vmem>>, vector<1x128xf32>
    %mul3A_67 = vector.broadcast %get3A_66 : vector<1x128xf32> to vector<64x128xf32>
    %mul3A_68 = arith.mulf %mul3A_63, %mul3A_67 : vector<64x128xf32>
    %get3A_69 = arith.constant 0 : index
    %get3A_70 = arith.constant 0 : index
    %get3A_71 = vector.load %arg8[%get3A_69, %get3A_70] : memref<1x128xf32, #tpu.memory_space<vmem>>, vector<1x128xf32>
    %add3A_72 = vector.broadcast %get3A_71 : vector<1x128xf32> to vector<64x128xf32>
    %add3A_73 = arith.addf %mul3A_68, %add3A_72 : vector<64x128xf32>
    %swap3A = arith.constant 0 : index
    %swap3A_74 = arith.constant 0 : index
    %swap3A_75 = vector.load %arg9[%swap3A, %swap3A_74] : memref<64x128xf32, #tpu.memory_space<vmem>>, vector<64x128xf32>
    tpu.vector_store %arg9[%swap3A, %swap3A_74], %add3A_73 {strides = array<i32>} : memref<64x128xf32, #tpu.memory_space<vmem>>, vector<64x128xf32>,
    return
  }
}

module attributes {stable_mosaic.version = 14 : i64} {
  func.func @_edge_body(%arg0: i32, %arg1: memref<16x160000xf32, #tpu.memory_space<vmem>>, %arg2: memref<1x8x20000xi32, #tpu.memory_space<vmem>>, %arg3: memref<64x16xf32, #tpu.memory_space<vmem>>) attributes {dimension_semantics = [#tpu.dimension_semantics<arbitrary>], iteration_bounds = array<i64: 10>, scalar_prefetch = 0 : i64, scratch_operands = 0 : i64, tpu.core_type = #tpu.core_type<tc>, window_params = [{transform_indices = @transform_0, window_bounds = array<i64: 16, 160000>}, {transform_indices = @transform_1, window_bounds = array<i64: 1, 8, 20000>}, {pipeline_mode = #tpu.pipeline_mode<synchronous>, transform_indices = @transform_2, window_bounds = array<i64: 64, 16>}]} {
    %eq3A = arith.constant 0 : i32
    %eq3A_0 = arith.cmpi eq, %arg0, %eq3A : i32
    %convert_element_type3A = arith.extui %eq3A_0 : i1 to i32
    %cond3A = arith.constant 0 : i32
    %cond3A_1 = arith.cmpi ne, %convert_element_type3A, %cond3A : i32
    scf.if %cond3A_1 {
      %broadcast_in_dim3A_109 = arith.constant 0.000000e+00 : f32
      %broadcast_in_dim3A_110 = vector.broadcast %broadcast_in_dim3A_109 : f32 to vector<64x16xf32>
      %swap3A_111 = arith.constant 0 : index
      %swap3A_112 = arith.constant 0 : index
      %swap3A_113 = vector.load %arg3[%swap3A_111, %swap3A_112] : memref<64x16xf32, #tpu.memory_space<vmem>>, vector<64x16xf32>
      tpu.vector_store %arg3[%swap3A_111, %swap3A_112], %broadcast_in_dim3A_110 {strides = array<i32>} : memref<64x16xf32, #tpu.memory_space<vmem>>, vector<64x16xf32>,
    } else {
    }
    %get3A = arith.constant 0 : index
    %get3A_2 = arith.constant 0 : index
    %get3A_3 = arith.constant 0 : index
    %get3A_4 = vector.load %arg2[%get3A, %get3A_2, %get3A_3] : memref<1x8x20000xi32, #tpu.memory_space<vmem>>, vector<1x8x20000xi32>
    %get3A_5 = vector.shape_cast %get3A_4 : vector<1x8x20000xi32> to vector<8x20000xi32>
    %convert_element_type3A_6 = arith.trunci %get3A_5 : vector<8x20000xi32> to vector<8x20000xi16>
    %iota3A = tpu.iota {dimensions = array<i32: 0>} : vector<64x20000xi16>
    %get3A_7 = arith.constant 0 : index
    %get3A_8 = arith.constant 0 : index
    %get3A_9 = vector.load %arg1[%get3A_7, %get3A_8] : memref<16x160000xf32, #tpu.memory_space<vmem>>, vector<16x160000xf32>
    %convert_element_type3A_10 = arith.truncf %get3A_9 : vector<16x160000xf32> to vector<16x160000xbf16>
    %broadcast_in_dim3A = arith.constant 0.000000e+00 : f32
    %broadcast_in_dim3A_11 = vector.broadcast %broadcast_in_dim3A : f32 to vector<64x16xf32>
    %slice3A = vector.extract_strided_slice %convert_element_type3A_6 {offsets = [0, 0], sizes = [1, 20000], strides = [1, 1]} : vector<8x20000xi16> to vector<1x20000xi16>
    %eq3A_12 = vector.broadcast %slice3A : vector<1x20000xi16> to vector<64x20000xi16>
    %eq3A_13 = arith.cmpi eq, %eq3A_12, %iota3A : vector<64x20000xi16>
    %jit3A = arith.constant 1.000000e+00 : bf16
    %jit3A_14 = arith.constant 0.000000e+00 : bf16
    %broadcast_in_dim3A_15 = vector.broadcast %jit3A : bf16 to vector<64x20000xbf16>
    %broadcast_in_dim3A_16 = vector.broadcast %jit3A_14 : bf16 to vector<64x20000xbf16>
    %select_n3A = arith.select %eq3A_13, %broadcast_in_dim3A_15, %broadcast_in_dim3A_16 : vector<64x20000xi1>, vector<64x20000xbf16>
    %slice3A_17 = vector.extract_strided_slice %convert_element_type3A_10 {offsets = [0, 0], sizes = [16, 20000], strides = [1, 1]} : vector<16x160000xbf16> to vector<16x20000xbf16>
    %dot_general3A = arith.constant dense<0.000000e+00> : vector<64x16xf32>
    %dot_general3A_18 = tpu.matmul %select_n3A, %slice3A_17, %dot_general3A {dimension_numbers = #tpu.dot_dimension_numbers<[1], [1], [0], [0], [0, 0, 1, 0], [], []>, transpose_lhs_hint = false} : vector<64x20000xbf16>, vector<16x20000xbf16>, vector<64x16xf32> -> vector<64x16xf32>
    %add3A = arith.addf %broadcast_in_dim3A_11, %dot_general3A_18 : vector<64x16xf32>
    %slice3A_19 = vector.extract_strided_slice %convert_element_type3A_6 {offsets = [1, 0], sizes = [1, 20000], strides = [1, 1]} : vector<8x20000xi16> to vector<1x20000xi16>
    %eq3A_20 = vector.broadcast %slice3A_19 : vector<1x20000xi16> to vector<64x20000xi16>
    %eq3A_21 = arith.cmpi eq, %eq3A_20, %iota3A : vector<64x20000xi16>
    %jit3A_22 = arith.constant 1.000000e+00 : bf16
    %jit3A_23 = arith.constant 0.000000e+00 : bf16
    %broadcast_in_dim3A_24 = vector.broadcast %jit3A_22 : bf16 to vector<64x20000xbf16>
    %broadcast_in_dim3A_25 = vector.broadcast %jit3A_23 : bf16 to vector<64x20000xbf16>
    %select_n3A_26 = arith.select %eq3A_21, %broadcast_in_dim3A_24, %broadcast_in_dim3A_25 : vector<64x20000xi1>, vector<64x20000xbf16>
    %slice3A_27 = vector.extract_strided_slice %convert_element_type3A_10 {offsets = [0, 20000], sizes = [16, 20000], strides = [1, 1]} : vector<16x160000xbf16> to vector<16x20000xbf16>
    %dot_general3A_28 = arith.constant dense<0.000000e+00> : vector<64x16xf32>
    %dot_general3A_29 = tpu.matmul %select_n3A_26, %slice3A_27, %dot_general3A_28 {dimension_numbers = #tpu.dot_dimension_numbers<[1], [1], [0], [0], [0, 0, 1, 0], [], []>, transpose_lhs_hint = false} : vector<64x20000xbf16>, vector<16x20000xbf16>, vector<64x16xf32> -> vector<64x16xf32>
    %add3A_30 = arith.addf %add3A, %dot_general3A_29 : vector<64x16xf32>
    %slice3A_31 = vector.extract_strided_slice %convert_element_type3A_6 {offsets = [2, 0], sizes = [1, 20000], strides = [1, 1]} : vector<8x20000xi16> to vector<1x20000xi16>
    %eq3A_32 = vector.broadcast %slice3A_31 : vector<1x20000xi16> to vector<64x20000xi16>
    %eq3A_33 = arith.cmpi eq, %eq3A_32, %iota3A : vector<64x20000xi16>
    %jit3A_34 = arith.constant 1.000000e+00 : bf16
    %jit3A_35 = arith.constant 0.000000e+00 : bf16
    %broadcast_in_dim3A_36 = vector.broadcast %jit3A_34 : bf16 to vector<64x20000xbf16>
    %broadcast_in_dim3A_37 = vector.broadcast %jit3A_35 : bf16 to vector<64x20000xbf16>
    %select_n3A_38 = arith.select %eq3A_33, %broadcast_in_dim3A_36, %broadcast_in_dim3A_37 : vector<64x20000xi1>, vector<64x20000xbf16>
    %slice3A_39 = vector.extract_strided_slice %convert_element_type3A_10 {offsets = [0, 40000], sizes = [16, 20000], strides = [1, 1]} : vector<16x160000xbf16> to vector<16x20000xbf16>
    %dot_general3A_40 = arith.constant dense<0.000000e+00> : vector<64x16xf32>
    %dot_general3A_41 = tpu.matmul %select_n3A_38, %slice3A_39, %dot_general3A_40 {dimension_numbers = #tpu.dot_dimension_numbers<[1], [1], [0], [0], [0, 0, 1, 0], [], []>, transpose_lhs_hint = false} : vector<64x20000xbf16>, vector<16x20000xbf16>, vector<64x16xf32> -> vector<64x16xf32>
    %add3A_42 = arith.addf %add3A_30, %dot_general3A_41 : vector<64x16xf32>
    %slice3A_43 = vector.extract_strided_slice %convert_element_type3A_6 {offsets = [3, 0], sizes = [1, 20000], strides = [1, 1]} : vector<8x20000xi16> to vector<1x20000xi16>
    %eq3A_44 = vector.broadcast %slice3A_43 : vector<1x20000xi16> to vector<64x20000xi16>
    %eq3A_45 = arith.cmpi eq, %eq3A_44, %iota3A : vector<64x20000xi16>
    %jit3A_46 = arith.constant 1.000000e+00 : bf16
    %jit3A_47 = arith.constant 0.000000e+00 : bf16
    %broadcast_in_dim3A_48 = vector.broadcast %jit3A_46 : bf16 to vector<64x20000xbf16>
    %broadcast_in_dim3A_49 = vector.broadcast %jit3A_47 : bf16 to vector<64x20000xbf16>
    %select_n3A_50 = arith.select %eq3A_45, %broadcast_in_dim3A_48, %broadcast_in_dim3A_49 : vector<64x20000xi1>, vector<64x20000xbf16>
    %slice3A_51 = vector.extract_strided_slice %convert_element_type3A_10 {offsets = [0, 60000], sizes = [16, 20000], strides = [1, 1]} : vector<16x160000xbf16> to vector<16x20000xbf16>
    %dot_general3A_52 = arith.constant dense<0.000000e+00> : vector<64x16xf32>
    %dot_general3A_53 = tpu.matmul %select_n3A_50, %slice3A_51, %dot_general3A_52 {dimension_numbers = #tpu.dot_dimension_numbers<[1], [1], [0], [0], [0, 0, 1, 0], [], []>, transpose_lhs_hint = false} : vector<64x20000xbf16>, vector<16x20000xbf16>, vector<64x16xf32> -> vector<64x16xf32>
    %add3A_54 = arith.addf %add3A_42, %dot_general3A_53 : vector<64x16xf32>
    %slice3A_55 = vector.extract_strided_slice %convert_element_type3A_6 {offsets = [4, 0], sizes = [1, 20000], strides = [1, 1]} : vector<8x20000xi16> to vector<1x20000xi16>
    %eq3A_56 = vector.broadcast %slice3A_55 : vector<1x20000xi16> to vector<64x20000xi16>
    %eq3A_57 = arith.cmpi eq, %eq3A_56, %iota3A : vector<64x20000xi16>
    %jit3A_58 = arith.constant 1.000000e+00 : bf16
    %jit3A_59 = arith.constant 0.000000e+00 : bf16
    %broadcast_in_dim3A_60 = vector.broadcast %jit3A_58 : bf16 to vector<64x20000xbf16>
    %broadcast_in_dim3A_61 = vector.broadcast %jit3A_59 : bf16 to vector<64x20000xbf16>
    %select_n3A_62 = arith.select %eq3A_57, %broadcast_in_dim3A_60, %broadcast_in_dim3A_61 : vector<64x20000xi1>, vector<64x20000xbf16>
    %slice3A_63 = vector.extract_strided_slice %convert_element_type3A_10 {offsets = [0, 80000], sizes = [16, 20000], strides = [1, 1]} : vector<16x160000xbf16> to vector<16x20000xbf16>
    %dot_general3A_64 = arith.constant dense<0.000000e+00> : vector<64x16xf32>
    %dot_general3A_65 = tpu.matmul %select_n3A_62, %slice3A_63, %dot_general3A_64 {dimension_numbers = #tpu.dot_dimension_numbers<[1], [1], [0], [0], [0, 0, 1, 0], [], []>, transpose_lhs_hint = false} : vector<64x20000xbf16>, vector<16x20000xbf16>, vector<64x16xf32> -> vector<64x16xf32>
    %add3A_66 = arith.addf %add3A_54, %dot_general3A_65 : vector<64x16xf32>
    %slice3A_67 = vector.extract_strided_slice %convert_element_type3A_6 {offsets = [5, 0], sizes = [1, 20000], strides = [1, 1]} : vector<8x20000xi16> to vector<1x20000xi16>
    %eq3A_68 = vector.broadcast %slice3A_67 : vector<1x20000xi16> to vector<64x20000xi16>
    %eq3A_69 = arith.cmpi eq, %eq3A_68, %iota3A : vector<64x20000xi16>
    %jit3A_70 = arith.constant 1.000000e+00 : bf16
    %jit3A_71 = arith.constant 0.000000e+00 : bf16
    %broadcast_in_dim3A_72 = vector.broadcast %jit3A_70 : bf16 to vector<64x20000xbf16>
    %broadcast_in_dim3A_73 = vector.broadcast %jit3A_71 : bf16 to vector<64x20000xbf16>
    %select_n3A_74 = arith.select %eq3A_69, %broadcast_in_dim3A_72, %broadcast_in_dim3A_73 : vector<64x20000xi1>, vector<64x20000xbf16>
    %slice3A_75 = vector.extract_strided_slice %convert_element_type3A_10 {offsets = [0, 100000], sizes = [16, 20000], strides = [1, 1]} : vector<16x160000xbf16> to vector<16x20000xbf16>
    %dot_general3A_76 = arith.constant dense<0.000000e+00> : vector<64x16xf32>
    %dot_general3A_77 = tpu.matmul %select_n3A_74, %slice3A_75, %dot_general3A_76 {dimension_numbers = #tpu.dot_dimension_numbers<[1], [1], [0], [0], [0, 0, 1, 0], [], []>, transpose_lhs_hint = false} : vector<64x20000xbf16>, vector<16x20000xbf16>, vector<64x16xf32> -> vector<64x16xf32>
    %add3A_78 = arith.addf %add3A_66, %dot_general3A_77 : vector<64x16xf32>
    %slice3A_79 = vector.extract_strided_slice %convert_element_type3A_6 {offsets = [6, 0], sizes = [1, 20000], strides = [1, 1]} : vector<8x20000xi16> to vector<1x20000xi16>
    %eq3A_80 = vector.broadcast %slice3A_79 : vector<1x20000xi16> to vector<64x20000xi16>
    %eq3A_81 = arith.cmpi eq, %eq3A_80, %iota3A : vector<64x20000xi16>
    %jit3A_82 = arith.constant 1.000000e+00 : bf16
    %jit3A_83 = arith.constant 0.000000e+00 : bf16
    %broadcast_in_dim3A_84 = vector.broadcast %jit3A_82 : bf16 to vector<64x20000xbf16>
    %broadcast_in_dim3A_85 = vector.broadcast %jit3A_83 : bf16 to vector<64x20000xbf16>
    %select_n3A_86 = arith.select %eq3A_81, %broadcast_in_dim3A_84, %broadcast_in_dim3A_85 : vector<64x20000xi1>, vector<64x20000xbf16>
    %slice3A_87 = vector.extract_strided_slice %convert_element_type3A_10 {offsets = [0, 120000], sizes = [16, 20000], strides = [1, 1]} : vector<16x160000xbf16> to vector<16x20000xbf16>
    %dot_general3A_88 = arith.constant dense<0.000000e+00> : vector<64x16xf32>
    %dot_general3A_89 = tpu.matmul %select_n3A_86, %slice3A_87, %dot_general3A_88 {dimension_numbers = #tpu.dot_dimension_numbers<[1], [1], [0], [0], [0, 0, 1, 0], [], []>, transpose_lhs_hint = false} : vector<64x20000xbf16>, vector<16x20000xbf16>, vector<64x16xf32> -> vector<64x16xf32>
    %add3A_90 = arith.addf %add3A_78, %dot_general3A_89 : vector<64x16xf32>
    %slice3A_91 = vector.extract_strided_slice %convert_element_type3A_6 {offsets = [7, 0], sizes = [1, 20000], strides = [1, 1]} : vector<8x20000xi16> to vector<1x20000xi16>
    %eq3A_92 = vector.broadcast %slice3A_91 : vector<1x20000xi16> to vector<64x20000xi16>
    %eq3A_93 = arith.cmpi eq, %eq3A_92, %iota3A : vector<64x20000xi16>
    %jit3A_94 = arith.constant 1.000000e+00 : bf16
    %jit3A_95 = arith.constant 0.000000e+00 : bf16
    %broadcast_in_dim3A_96 = vector.broadcast %jit3A_94 : bf16 to vector<64x20000xbf16>
    %broadcast_in_dim3A_97 = vector.broadcast %jit3A_95 : bf16 to vector<64x20000xbf16>
    %select_n3A_98 = arith.select %eq3A_93, %broadcast_in_dim3A_96, %broadcast_in_dim3A_97 : vector<64x20000xi1>, vector<64x20000xbf16>
    %slice3A_99 = vector.extract_strided_slice %convert_element_type3A_10 {offsets = [0, 140000], sizes = [16, 20000], strides = [1, 1]} : vector<16x160000xbf16> to vector<16x20000xbf16>
    %dot_general3A_100 = arith.constant dense<0.000000e+00> : vector<64x16xf32>
    %dot_general3A_101 = tpu.matmul %select_n3A_98, %slice3A_99, %dot_general3A_100 {dimension_numbers = #tpu.dot_dimension_numbers<[1], [1], [0], [0], [0, 0, 1, 0], [], []>, transpose_lhs_hint = false} : vector<64x20000xbf16>, vector<16x20000xbf16>, vector<64x16xf32> -> vector<64x16xf32>
    %add3A_102 = arith.addf %add3A_90, %dot_general3A_101 : vector<64x16xf32>
    %get3A_103 = arith.constant 0 : index
    %get3A_104 = arith.constant 0 : index
    %get3A_105 = vector.load %arg3[%get3A_103, %get3A_104] : memref<64x16xf32, #tpu.memory_space<vmem>>, vector<64x16xf32>
    %add3A_106 = arith.addf %get3A_105, %add3A_102 : vector<64x16xf32>
    %swap3A = arith.constant 0 : index
    %swap3A_107 = arith.constant 0 : index
    %swap3A_108 = vector.load %arg3[%swap3A, %swap3A_107] : memref<64x16xf32, #tpu.memory_space<vmem>>, vector<64x16xf32>
    tpu.vector_store %arg3[%swap3A, %swap3A_107], %add3A_106 {strides = array<i32>} : memref<64x16xf32, #tpu.memory_space<vmem>>, vector<64x16xf32>,
    return
  }
  func.func @transform_0(%arg0: i32) -> (i32, i32) {
    %c0_i32 = arith.constant 0 : i32
    %c0_i32_0 = arith.constant 0 : i32
    return %c0_i32, %arg0 : i32, i32
  }
  func.func @transform_1(%arg0: i32) -> (i32, i32, i32) {
    %c0_i32 = arith.constant 0 : i32
    %c0_i32_0 = arith.constant 0 : i32
    %c0_i32_1 = arith.constant 0 : i32
    return %arg0, %c0_i32, %c0_i32_0 : i32, i32, i32
  }
  func.func @transform_2(%arg0: i32) -> (i32, i32) {
    %c0_i32 = arith.constant 0 : i32
    %c0_i32_0 = arith.constant 0 : i32
    %c0_i32_1 = arith.constant 0 : i32
    return %c0_i32, %c0_i32_0 : i32, i32
  }
}

</mosaic_0001>

<sc_bundles>
// kernel: kernel.5.cloned.1.call-start
scs
__scs_entry_jumppad:
0x0: {  	(pc) =	sbr.rel $0x88, $3  }
0x1: {  	(tag) =	ssettag $0x0;
	lr =	simm.s32 $0x1  }
0x2: {  	[smem:$0x3F96] =	sst lr;
	_ =	strace $0xD0000000  }
0x3: {  	_ = 	snop  }
0x4: {  	_ = 	snop  }
0x5: {  	_ = 	snop  }
0x6: {  	_ = 	snop  }
0x7: {  	_ = 	snop  }
__scs_overlays_trampoline_lowered:
0x8: {  	[smem:$0x3FA5] =	sst s0  }
0x9: {  	[smem:$0x3FA6] =	sst s1  }
0xa: {  	[smem:$0x3FA7] =	sst s2  }
0xb: {  	[smem:$0x3FA8] =	sst s3  }
0xc: {  	[smem:$0x3FA9] =	sst s4  }
0xd: {  	[smem:$0x3FAA] =	sst s5  }
0xe: {  	[smem:$0x3FAB] =	sst s6  }
0xf: {  	[smem:$0x3FAC] =	sst s7  }
0x10: {  	[smem:$0x3FAD] =	sst s8  }
0x11: {  	[smem:$0x3FAE] =	sst s9;
	s0 =	simm.s32 @!p0 $0x0  }
0x12: {  	s1 =	sld [smem:$0x3F94];
	s0 =	simm.s32 @p0 $0x1  }
0x13: {  	[smem:$0x3FAF] =	sst s0;
	s0 =	simm.s32 @!p1 $0x0  }
0x14: {  	s2 =	sld [smem:$0x3F93];
	s0 =	simm.s32 @p1 $0x1  }
0x15: {  	[smem:$0x3FB0] =	sst s0;
	s0 =	simm.s32 @!p2 $0x0  }
0x16: {  	s3 =	sld [smem:$0x3FDB];
	s0 =	simm.s32 @p2 $0x1  }
0x17: {  	s4 =	simm.s32 $0x1BF5;
	[smem:$0x3FB2] =	sst s0  }
0x18: {  	s0 =	sld [smem:$0x3F95];
	_ =	swait.ge [sflag:s4], $0x0  }
0x19: {  	s7 =	sld [smem:$0x3F96]  }
0x1a: {  	s8 =	sadd.s32 $0xFFFFE003, lr  }
0x1b: {  	s9 =	sadd.s32 $0xFFFFFEF7, lr;
	s5 =	simm.s32 $0xFFFFFFFF;
	p2 =	slt.u32 s8, $0xFFFFF086  }
0x1c: {  	p1 =	slt.u32 s9, $0xF7A;
	s5 =	simm.s32 @!p2 $0x0  }
0x1d: {  	s5 =	simm.s32 @p1 $0x1;
	p0 =	seq.s32 s7, s2  }
0x1e: {  	s7 =	smul.u32 @!p0 $0xF7A, s2;
	p2 =	seq.s32 @!p0 s5, $0x0  }
0x1f: {  	s9 =	smul.u32 $0xF7A, s1;
	s8 =	simm.s32 @!p0 $0x1BF5;
	p2 =	por !p2, p0  }
0x20: {  	[sflag:s8] =	ssyncset.s32 @!p0 $0xFFFFF086;
	s6 =	sadd.s32 @!p0 s3, s7;
	s7 =	simm.s32 @!p0 $0x108  }
0x21: {  	s3 =	sadd.s32 s3, s9;
	s6 =	sadd.s32 @!p0 $0x88, s6;
	s7 =	simm.s32 @p2 $0x1082  }
0x22: {  	[simem:s7], [sflag:s8] =	dma.local @!p0 [hbm:s6], $0xF7A  }
0x23: {  	s9 =	sor.u32 $0xD0000000, s2;
	s6 =	simm.s32 $0x108;
	_ =	swait.ge @!p0 [sflag:s8], $0x0  }
0x24: {  	s3 =	sadd.s32 $0x88, s3;
	s6 =	simm.s32 @!p1 $0x1082;
	[sflag:s4] =	ssyncset.s32 $0xFFFFF086  }
0x25: {  	[simem:s6], [sflag:s4] =	dma.local [hbm:s3], $0xF7A  }
0x26: {  	[smem:$0x3F96] =	sst s1;
	(tag) =	ssettag s2;
	_ =	strace s9  }
0x27: {  	s1 =	sld [smem:$0x3FA6]  }
0x28: {  	s2 =	sld [smem:$0x3FA7]  }
0x29: {  	s4 =	sld [smem:$0x3FA9]  }
0x2a: {  	p0 =	seq.s32 s5, $0x0;
	s5 =	sld [smem:$0x3FAA]  }
0x2b: {  	s6 =	sld [smem:$0x3FAB]  }
0x2c: {  	s7 =	sld [smem:$0x3FAC]  }
0x2d: {  	s3 =	simm.s32 $0x108;
	s8 =	sld [smem:$0x3FAD]  }
0x2e: {  	s3 =	simm.s32 @!p0 $0x1082;
	s9 =	sld [smem:$0x3FAE]  }
0x2f: {  	lr =	sadd.s32 s0, s3;
	s0 =	sld [smem:$0x3FA5]  }
0x30: {  	s3 =	sld [smem:$0x3FA8]  }
0x31: {  	[smem:$0x3FB1] =	sst s10  }
0x32: {  	s10 =	sld [smem:$0x3FAF];
	_ =	sdelay $0x3  }
0x33: {  	p0 =	seq.s32 s10, $0x1;
	s10 =	sld [smem:$0x3FB1];
	_ =	sdelay $0x3  }
0x34: {  	[smem:$0x3FB1] =	sst s10  }
0x35: {  	s10 =	sld [smem:$0x3FB0];
	_ =	sdelay $0x3  }
0x36: {  	p1 =	seq.s32 s10, $0x1;
	s10 =	sld [smem:$0x3FB1];
	_ =	sdelay $0x3  }
0x37: {  	[smem:$0x3FB1] =	sst s10  }
0x38: {  	s10 =	sld [smem:$0x3FB2]  }
0x39: {  	_ = 	snop;
	(pc) =	sbr.ind lr, $3  }
0x3a: {  	_ = 	snop  }
0x3b: {  	_ = 	snop  }
0x3c: {  	p2 =	seq.s32 s10, $0x1;
	s10 =	sld [smem:$0x3FB1]  }
0x3d: {  	_ =	shalt  }
0x3e: {  	_ =	shalt  }
0x3f: {  	_ =	shalt  }
0x40: {  	_ =	shalt  }
0x41: {  	_ =	shalt  }
0x42: {  	_ =	shalt  }
0x43: {  	_ =	shalt  }
0x44: {  	_ =	shalt  }
0x45: {  	_ =	shalt  }
0x46: {  	_ =	shalt  }
0x47: {  	_ =	shalt  }
0x48: {  	_ =	shalt  }
0x49: {  	_ =	shalt  }
0x4a: {  	_ =	shalt  }
0x4b: {  	_ =	shalt  }
0x4c: {  	_ =	shalt  }
0x4d: {  	_ =	shalt  }
0x4e: {  	_ =	shalt  }
0x4f: {  	_ =	shalt  }
0x50: {  	_ =	shalt  }
0x51: {  	_ =	shalt  }
0x52: {  	_ =	shalt  }
0x53: {  	_ =	shalt  }
0x54: {  	_ =	shalt  }
0x55: {  	_ =	shalt  }
0x56: {  	_ =	shalt  }
0x57: {  	_ =	shalt  }
0x58: {  	_ =	shalt  }
0x59: {  	_ =	shalt  }
0x5a: {  	_ =	shalt  }
0x5b: {  	_ =	shalt  }
0x5c: {  	_ =	shalt  }
0x5d: {  	_ =	shalt  }
0x5e: {  	_ =	shalt  }
0x5f: {  	_ =	shalt  }
0x60: {  	_ =	shalt  }
0x61: {  	_ =	shalt  }
0x62: {  	_ =	shalt  }
0x63: {  	_ =	shalt  }
0x64: {  	_ =	shalt  }
0x65: {  	_ =	shalt  }
0x66: {  	_ =	shalt  }
0x67: {  	_ =	shalt  }
0x68: {  	_ =	shalt  }
0x69: {  	_ =	shalt  }
0x6a: {  	_ =	shalt  }
0x6b: {  	_ =	shalt  }
0x6c: {  	_ =	shalt  }
0x6d: {  	_ =	shalt  }
0x6e: {  	_ =	shalt  }
0x6f: {  	_ =	shalt  }
0x70: {  	_ =	shalt  }
0x71: {  	_ =	shalt  }
0x72: {  	_ =	shalt  }
0x73: {  	_ =	shalt  }
0x74: {  	_ =	shalt  }
0x75: {  	_ =	shalt  }
0x76: {  	_ =	shalt  }
0x77: {  	_ =	shalt  }
0x78: {  	_ =	shalt  }
0x79: {  	_ =	shalt  }
0x7a: {  	_ =	shalt  }
0x7b: {  	_ =	shalt  }
0x7c: {  	_ =	shalt  }
0x7d: {  	_ =	shalt  }
0x7e: {  	_ =	shalt  }
0x7f: {  	_ =	shalt  }
0x80: {  	_ =	shalt  }
0x81: {  	_ =	shalt  }
0x82: {  	_ =	shalt  }
0x83: {  	_ =	shalt  }
0x84: {  	_ =	shalt  }
0x85: {  	_ =	shalt  }
0x86: {  	_ =	shalt  }
0x87: {  	_ =	shalt  }
.Lfunc_end0:
.L_simem_size_0:
called_computation_lowered:
.L_overlay_start_0:
0x88: {  	s2 =	sld [smem:$0x3FD9]  }
0x89: {  	s3 =	sld [smem:$0x3FFE];
	_ =	sdelay $0x1  }
0x8a: {  	s1 =	srdreg.scid  }
0x8b: {  	s0 =	sand.u32 $0x1, s1  }
0x8c: {  	s17 =	sshll.u32 s0, $0xA;
	s2 =	sadd.s32 s3, s2  }
0x8d: {  	s2 =	sadd.s32 s2, s17  }
0x8e: {  	[smem:$0x3FBD] =	sst s2  }
0x8f: {  	_ = 	snop  }
0x90: {  	s2 =	sld [smem:$0x3FC9];
	(tm) =	ssettm $0x1  }
0x91: {  	s18 =	sld [smem:$0x3FFB];
	_ =	sdelay $0x3  }
0x92: {  	_ =	strace s18  }
0x93: {  	s3 =	sld [smem:$0x3FFC];
	_ =	sdelay $0x3  }
0x94: {  	_ =	strace s3  }
0x95: {  	s3 =	sld [smem:$0x3FFD];
	_ =	sdelay $0x3  }
0x96: {  	_ =	strace s3  }
0x97: {  	_ =	strace $0x8FFFFFFF  }
0x98: {  	s19 =	sld [smem:$0x3FDB];
	_ =	sdelay $0x1  }
0x99: {  	s4 =	simm.s32 $_scs_section_size  }
0x9a: {  	s5 =	simm.s32 $_size__tile_overlayer_lowered;
	s6 =	simm.s32 $_tile_overlayer_lowered  }
0x9b: {  	s22 =	simm.s32 $0x1BFF;
	s21 =	sshll.u32 s6, $0x1;
	s3 =	sadd.s32 s4, s19  }
0x9c: {  	s7 =	simm.s32 $0x0;
	s20 =	sshll.u32 s5, $0x1;
	s5 =	sadd.s32 s21, s3  }
0x9d: {  	[timem:s7], [sflag:s22] =	dma.local [hbm:s5], s20  }
0x9e: {  	_ =	swait.ge [sflag:s22], s20  }
0x9f: {  	s4 =	ssub.s32 $0x0, s20;
	[sflag:s22] =	ssyncset.done $0x0  }
0xa0: {  	[sflag:s22] =	ssyncadd.s32 s4;
	_ =	sdelay $0x1  }
0xa1: {  	s23 =	simm.s32 $0x1B8B  }
0xa2: {  	_ =	swait.ge [sflag:s23], $0x1  }
0xa3: {  	[sflag:s23] =	ssyncset.done $0x0  }
0xa4: {  	s25 =	simm.s32 $0x1B8E;
	s24 =	sld [smem:$0x3FFE];
	[sflag:s23] =	ssyncadd.s32 $0xFFFFFFFF  }
0xa5: {  	s26 =	simm.s32 $execute0_lowered;
	[smem:$0x3FD2] =	sst s25  }
0xa6: {  	s5 =	sshll.u32 s26, $0x1;
	_ =	strace $0x80000046;
	[dreg:$0x1] =	wrdreg $0xFFFFFFFF  }
0xa7: {  	s28 =	simm.s32 $_size_execute0_lowered;
	s3 =	sadd.s32 s3, s5;
	[dreg:$0x0] =	wrdreg $0x0  }
0xa8: {  	s5 =	sshll.u32 s28, $0x1;
	[dreg:$0x2] =	wrdreg s3  }
0xa9: {  	[dreg:$0x3] =	wrdreg s5  }
0xaa: {  	[dreg:$0x4] =	wrdreg $0xC0  }
0xab: {  	_ =	task [dreg:s7], $0x5FFFF  }
0xac: {  	[dreg:$0x1] =	wrdreg $0xFFFFFFFF  }
0xad: {  	[dreg:$0x0] =	wrdreg $0x60  }
0xae: {  	[dreg:$0x2] =	wrdreg s2  }
0xaf: {  	[dreg:$0x3] =	wrdreg s24  }
0xb0: {  	[dreg:$0x4] =	wrdreg $0x102000  }
0xb1: {  	[dreg:$0x5] =	wrdreg $0x9  }
0xb2: {  	_ =	task.clear_ibuf [dreg:s7], $0x6FFFF;
	_ =	strace $0x90000046  }
0xb3: {  	s29 =	simm.s32 $0x9;
	_ =	strace $0x80000048  }
0xb4: {  	_ =	swait.ge [sflag:s29], $0x1  }
0xb5: {  	[sflag:s29] =	ssyncadd.s32 $0xFFFFFFFF  }
0xb6: {  	_ =	strace $0x90000048  }
0xb7: {  	_ =	sfence  }
0xb8: {  	s30 =	sld [smem:$0x0];
	_ =	sdelay $0x2  }
0xb9: {  	s31 =	sshll.u32 s1, $0xD;
	s1 =	sshrl.u32 s1, $0x2  }
0xba: {  	s3 =	sand.u32 $0x4000, s31;
	s1 =	sadd.s32 s1, s30  }
0xbb: {  	s0 =	sor.u32 s3, s0;
	s1 =	sshll.u32 s1, $0x11  }
0xbc: {  	s0 =	sor.u32 s1, s0  }
0xbd: {  	s0 =	sadd.s32 $0x8F2B, s0  }
0xbe: {  	[sflag:s0] =	ssyncadd.remote.s32 $0x1  }
0xbf: {  	_ =	sfence.sel $0xFFFF  }
0xc0: {  	[dreg:$0x0] =	wrdreg $0xFFFFFFFF;
	(pc) =	sbr.abs _section_cstart, $3  }
0xc1: {  	[dreg:$0x1] =	wrdreg $0xFFFFFFFF  }
0xc2: {  	_ =	task.clear_ibuf [dreg:s7], $0x2FFFF;
	_ =	strace $0x9FFFFFFF  }
0xc3: {  	(tm) =	ssettm $0x7FFFFFFF  }
tec
execute0_lowered:
.L_overlay_start_1:
0x0: {  	(tag) =	ssettag $0x1  }
0x1: {  	s0 =	rddreg [dreg:$0x0]  }
0x2: {  	s6 =	rddreg [dreg:$0x1]  }
0x3: {  	s1 =	rddreg [dreg:$0x2];
	s2 =	simm.s32 $0x0  }
0x4: {  	s3 =	srdreg.scid;
	s7 =	stileid.u32;
	s29 =	simm.s32 $0x10000  }
0x5: {  	s30 =	simm.s32 $0x8000;
	s31 =	simm.s32 $0x10100;
	[smem:$0x7FF] =	sst s2  }
0x6: {  	s8 =	sand.u32 $0x1, s3;
	s23 =	sshll.u32 s7, $0x1;
	s10 =	sadd.s32 $0x1600, s6  }
0x7: {  	s3 =	sadd.s32 $0x4800, s6;
	s25 =	sadd.s32 $0x184000, s0;
	s26 =	sadd.s32 $0x4680, s6  }
0x8: {  	s16 =	sadd.s32 $0x46A0, s6;
	_ =	strace $0x80000047;
	[dreg:$0x4] =	wrdreg s25  }
0x9: {  	s17 =	sadd.s32 $0x186000, s0;
	s18 =	sadd.s32 $0x46C0, s6;
	[dreg:$0x5] =	wrdreg s26  }
0xa: {  	s21 =	sadd.s32 $0x180000, s0;
	p0 =	sne.s32 s7, $0x0;
	[dreg:$0x7] =	wrdreg s16  }
0xb: {  	s28 =	sadd.s32 $0x4660, s6;
	s9 =	sor.u32 s8, s23;
	[dreg:$0x8] =	wrdreg s17  }
0xc: {  	s4 =	sshll.u32 s8, $0xA;
	s16 =	smul.u32 $0x1800, s7;
	[dreg:$0x9] =	wrdreg s18  }
0xd: {  	s5 =	ssub.s32 $0x2, s8;
	s8 =	smul.u32 $0xC00, s8;
	[dreg:$0xa] =	wrdreg s21  }
0xe: {  	s23 =	sadd.s32 $0x4600, s6;
	s26 =	sadd.s32 $0x182000, s0;
	s11 =	smul.u32 $0xC00, s9  }
0xf: {  	s7 =	simm.s32 $0x3;
	s12 =	smul.u32 $0xC000, s9;
	s13 =	sadd.s32 s4, s6  }
0x10: {  	s24 =	sshrl.u32 s5, $0x1;
	[dreg:$0xb] =	wrdreg s23;
	p1 =	seq.s32 s9, $0x1  }
0x11: {  	p2 =	sne.s32 s9, $0x0;
	[dreg:$0xd] =	wrdreg s26;
	s26 =	sadd.s32 $0x4640, s6  }
0x12: {  	s9 =	simm.s32 $0x0;
	s15 =	ssub.s32 s5, s24;
	s8 =	sadd.s32 s8, s16  }
0x13: {  	s24 =	sadd.s32 $0x181000, s0;
	s14 =	sshrl.u32 s11, $0x3;
	s4 =	sadd.s32 s0, s12  }
0x14: {  	s11 =	sadd.s32 $0xB00, s11;
	s12 =	sadd.s32 $0x4E00, s13;
	s13 =	smax.u32 s15, $0x1  }
0x15: {  	s20 =	sor.u32 $0x200, s8;
	s8 =	sor.u32 $0x100, s8;
	[dreg:$0xc] =	wrdreg s24  }
0x16: {  	s24 =	sadd.s32 $0x183000, s0;
	s5 =	sadd.s32 s10, s14;
	s14 =	sadd.s32 $0x185000, s0  }
0x17: {  	s19 =	sshll.u32 s11, $0x4;
	s11 =	sshrl.u32 s11, $0x3;
	s22 =	sshrl.u32 s20, $0x3  }
.Ltmp0:
0x18: {  	s18 =	sshrl.u32 s8, $0x3;
	s25 =	sshll.u32 s20, $0x4;
	(pc) =	sbr.rel .LBB2_1-.Ltmp0, $4  }
0x19: {  	s8 =	sshll.u32 s8, $0x4;
	[dreg:$0x6] =	wrdreg s14;
	s14 =	sadd.s32 s0, s19  }
0x1a: {  	s15 =	sadd.s32 s10, s11;
	s17 =	sadd.s32 s22, s10;
	s18 =	sadd.s32 s18, s10  }
0x1b: {  	s16 =	sadd.s32 s25, s0;
	s19 =	sadd.s32 s8, s0;
	s25 =	sadd.s32 $0x4620, s6  }
0x1c: {  	s0 =	simm.s32 $0x1;
	s6 =	simm.s32 $0x100;
	s8 =	simm.s32 $0x2  }
.LBB2_6:
0x1d: {  	s11 =	rddreg [dreg:$0x4]  }
0x1e: {  	[tilespmem:s2], [sflag:$0x3] =	stream.linear.gather [hbm4b:s11+s2], $0x8000, $0x38;
	[tilespmem:$0x10408] =	vst v63  }
0x1f: {  	_ =	swait.ge [sflag:s7], $0x8000  }
0x20: {  	[sflag:s7] =	ssyncset.done $0x0  }
0x21: {  	s20 =	rddreg [dreg:$0x5];
	[sflag:s7] =	ssyncadd.s32 $0xFFFF8000  }
0x22: {  	[tilespmem:s29], [sflag:$0x3] =	stream.linear.gather [hbm4b:s20+s2], $0x100, $0x38;
	[tilespmem:$0x10408] =	vst v63  }
0x23: {  	_ =	swait.ge [sflag:s7], $0x100  }
0x24: {  	[sflag:s7] =	ssyncset.done $0x0  }
0x25: {  	[sflag:s7] =	ssyncadd.s32 $0xFFFFFF00  }
0x26: {  	[spmem:s1] =	stream.indirect.scatter.add.f32 [tilespmem:s2], [sflag:$0x3], $0x80, s29, s6, $0xb8;
	[tilespmem:$0x10408] =	vst v63  }
0x27: {  	_ =	swait.ge [sflag:s7], $0x8000  }
0x28: {  	[sflag:s7] =	ssyncset.done $0x0  }
0x29: {  	s21 =	rddreg [dreg:$0x6];
	[sflag:s7] =	ssyncadd.s32 $0xFFFF8000  }
0x2a: {  	[tilespmem:s2], [sflag:$0x3] =	stream.linear.gather [hbm4b:s21+s2], $0x8000, $0x38;
	[tilespmem:$0x10408] =	vst v63  }
0x2b: {  	_ =	swait.ge [sflag:s7], $0x8000  }
0x2c: {  	[sflag:s7] =	ssyncset.done $0x0  }
0x2d: {  	s22 =	rddreg [dreg:$0x7];
	[sflag:s7] =	ssyncadd.s32 $0xFFFF8000  }
0x2e: {  	[tilespmem:s29], [sflag:$0x3] =	stream.linear.gather [hbm4b:s22+s2], $0x100, $0x38;
	[tilespmem:$0x10408] =	vst v63  }
0x2f: {  	_ =	swait.ge [sflag:s7], $0x100  }
0x30: {  	[sflag:s7] =	ssyncset.done $0x0  }
0x31: {  	[sflag:s7] =	ssyncadd.s32 $0xFFFFFF00  }
0x32: {  	[spmem:s1] =	stream.indirect.scatter.add.f32 [tilespmem:s2], [sflag:$0x3], $0x80, s29, s6, $0xb8;
	[tilespmem:$0x10408] =	vst v63  }
0x33: {  	_ =	swait.ge [sflag:s7], $0x8000  }
0x34: {  	[sflag:s7] =	ssyncset.done $0x0  }
0x35: {  	s23 =	rddreg [dreg:$0x8];
	[sflag:s7] =	ssyncadd.s32 $0xFFFF8000  }
0x36: {  	[tilespmem:s2], [sflag:$0x3] =	stream.linear.gather [hbm4b:s23+s2], $0x5000, $0x38;
	[tilespmem:$0x10408] =	vst v63  }
0x37: {  	_ =	swait.ge [sflag:s7], $0x5000  }
0x38: {  	[sflag:s7] =	ssyncset.done $0x0  }
0x39: {  	s11 =	rddreg [dreg:$0x9];
	[sflag:s7] =	ssyncadd.s32 $0xFFFFB000  }
.LBB2_7:
0x3a: {  	[tilespmem:s29], [sflag:$0x3] =	stream.linear.gather [hbm4b:s11+s2], $0x100, $0x38;
	[tilespmem:$0x10408] =	vst v63  }
0x3b: {  	_ =	swait.ge [sflag:s7], $0x100  }
0x3c: {  	[sflag:s7] =	ssyncset.done $0x0  }
0x3d: {  	[sflag:s7] =	ssyncadd.s32 $0xFFFFFF00  }
0x3e: {  	[spmem:s1] =	stream.indirect.scatter.add.f32 [tilespmem:s2], [sflag:$0x3], $0x80, s29, s6, $0xb8;
	[tilespmem:$0x10408] =	vst v63  }
0x3f: {  	_ =	swait.ge [sflag:s7], $0x8000  }
0x40: {  	[sflag:s7] =	ssyncset.done $0x0  }
0x41: {  	[sflag:s7] =	ssyncadd.s32 $0xFFFF8000  }
.LBB2_8:
0x42: {  	[bflag:$0x0] =	sbarrier.arrive $0xFFFF;
	s11 =	simm.s32 @!p0 $0x1C03;
	s9 =	sadd.s32 $0x1, s9  }
0x43: {  	[hbm:s12], [sflag:s11] =	dma.local @!p0 [spmem:s10], $0x400  }
0x44: {  	p3 =	sne.s32 s9, s13  }
.Ltmp1:
0x45: {  	_ = 	snop;
	(pc) =	sbr.rel @!p3 .LBB2_9-.Ltmp1, $4  }
0x46: {  	s10 =	simm.s32 @!p0 $0x3  }
0x47: {  	_ =	swait.ge @!p0 [sflag:s10], $0x400  }
0x48: {  	[sflag:s10] =	ssyncset.done @!p0 $0x0  }
0x49: {  	[sflag:s10] =	ssyncadd.s32 @!p0 $0xFFFFFC00  }
.LBB2_1:
0x4a: {  	s10 =	sshrl.u32 @!p0 s1, $0x3;
	s11 =	simm.s32 @!p0 $0x1C03  }
0x4b: {  	[spmem:s10], [sflag:s11] =	dma.local @!p0 [hbm:s3], $0x410  }
0x4c: {  	s11 =	simm.s32 @!p0 $0x3  }
0x4d: {  	_ =	swait.ge @!p0 [sflag:s11], $0x410  }
0x4e: {  	[sflag:s11] =	ssyncset.done @!p0 $0x0  }
0x4f: {  	[sflag:s11] =	ssyncadd.s32 @!p0 $0xFFFFFBF0  }
0x50: {  	[bflag:$0x0] =	sbarrier.arrive $0xFFFF  }
0x51: {  	[tilespmem:s2], [sflag:$0x1] =	stream.linear.gather [hbm4b:s4+s2], $0x8000, $0x38;
	[tilespmem:$0x10408] =	vst v63  }
0x52: {  	_ = 	snop  }
0x53: {  	[tilespmem:s29], [sflag:$0x1] =	stream.linear.gather [hbm4b:s5+s2], $0x100, $0x38;
	[tilespmem:$0x10408] =	vst v63  }
0x54: {  	_ = 	snop  }
0x55: {  	[tilespmem:s30], [sflag:$0x2] =	stream.linear.gather [hbm4b:s19+s2], $0x8000, $0x38;
	[tilespmem:$0x10408] =	vst v63  }
0x56: {  	s22 =	sadd.s32 $0x0, s18  }
0x57: {  	[tilespmem:s31], [sflag:$0x2] =	stream.linear.gather [hbm4b:s22+s2], $0x100, $0x38;
	[tilespmem:$0x10408] =	vst v63  }
0x58: {  	_ =	swait.ge [sflag:s0], $0x8000  }
0x59: {  	[sflag:s0] =	ssyncset.done $0x0  }
0x5a: {  	[sflag:s0] =	ssyncadd.s32 $0xFFFF8000  }
0x5b: {  	_ =	swait.ge [sflag:s0], $0x100  }
0x5c: {  	[sflag:s0] =	ssyncset.done $0x0  }
0x5d: {  	[sflag:s0] =	ssyncadd.s32 $0xFFFFFF00  }
0x5e: {  	[spmem:s1] =	stream.indirect.scatter.add.f32 [tilespmem:s2], [sflag:$0x3], $0x80, s29, s6, $0xb8;
	[tilespmem:$0x10408] =	vst v63  }
0x5f: {  	_ =	swait.ge [sflag:s7], $0x8000  }
0x60: {  	[sflag:s7] =	ssyncset.done $0x0  }
0x61: {  	[sflag:s7] =	ssyncadd.s32 $0xFFFF8000  }
0x62: {  	[tilespmem:s2], [sflag:$0x1] =	stream.linear.gather [hbm4b:s16+s2], $0x8000, $0x38;
	[tilespmem:$0x10408] =	vst v63  }
0x63: {  	s23 =	sadd.s32 $0x0, s17  }
0x64: {  	[tilespmem:s29], [sflag:$0x1] =	stream.linear.gather [hbm4b:s23+s2], $0x100, $0x38;
	[tilespmem:$0x10408] =	vst v63  }
0x65: {  	_ =	swait.ge [sflag:s8], $0x8000  }
0x66: {  	[sflag:s8] =	ssyncset.done $0x0  }
0x67: {  	[sflag:s8] =	ssyncadd.s32 $0xFFFF8000  }
0x68: {  	_ =	swait.ge [sflag:s8], $0x100  }
0x69: {  	[sflag:s8] =	ssyncset.done $0x0  }
0x6a: {  	[sflag:s8] =	ssyncadd.s32 $0xFFFFFF00  }
0x6b: {  	[spmem:s1] =	stream.indirect.scatter.add.f32 [tilespmem:s30], [sflag:$0x3], $0x80, s31, s6, $0xb8;
	[tilespmem:$0x10408] =	vst v63  }
0x6c: {  	s11 =	simm.s32 $0x40;
	_ =	swait.ge [sflag:s7], $0x8000  }
0x6d: {  	s22 =	smov.u32 s16;
	s23 =	smov.u32 s19;
	[sflag:s7] =	ssyncset.done $0x0  }
.LBB2_2:
0x6e: {  	[sflag:s7] =	ssyncadd.s32 $0xFFFF8000  }
0x6f: {  	s22 =	sadd.s32 $0x2000, s22;
	s23 =	sadd.s32 $0x2000, s23;
	s20 =	smov.u32 s11  }
0x70: {  	[tilespmem:s30], [sflag:$0x2] =	stream.linear.gather [hbm4b:s23+s2], $0x8000, $0x38;
	[tilespmem:$0x10408] =	vst v63  }
0x71: {  	p3 =	sne.s32 s11, $0x100;
	s11 =	sadd.s32 $0x40, s11;
	s21 =	sadd.s32 s20, s18  }
0x72: {  	[tilespmem:s31], [sflag:$0x2] =	stream.linear.gather [hbm4b:s21+s2], $0x100, $0x38;
	[tilespmem:$0x10408] =	vst v63  }
0x73: {  	_ =	swait.ge [sflag:s0], $0x8000  }
0x74: {  	[sflag:s0] =	ssyncset.done $0x0  }
0x75: {  	[sflag:s0] =	ssyncadd.s32 $0xFFFF8000  }
0x76: {  	_ =	swait.ge [sflag:s0], $0x100  }
0x77: {  	[sflag:s0] =	ssyncset.done $0x0  }
0x78: {  	[sflag:s0] =	ssyncadd.s32 $0xFFFFFF00  }
0x79: {  	[spmem:s1] =	stream.indirect.scatter.add.f32 [tilespmem:s2], [sflag:$0x3], $0x80, s29, s6, $0xb8;
	[tilespmem:$0x10408] =	vst v63  }
0x7a: {  	_ =	swait.ge [sflag:s7], $0x8000  }
0x7b: {  	[sflag:s7] =	ssyncset.done $0x0  }
0x7c: {  	[sflag:s7] =	ssyncadd.s32 $0xFFFF8000  }
0x7d: {  	[tilespmem:s2], [sflag:$0x1] =	stream.linear.gather [hbm4b:s22+s2], $0x8000, $0x38;
	[tilespmem:$0x10408] =	vst v63  }
0x7e: {  	s20 =	sadd.s32 s20, s17  }
0x7f: {  	[tilespmem:s29], [sflag:$0x1] =	stream.linear.gather [hbm4b:s20+s2], $0x100, $0x38;
	[tilespmem:$0x10408] =	vst v63  }
0x80: {  	_ =	swait.ge [sflag:s8], $0x8000  }
0x81: {  	[sflag:s8] =	ssyncset.done $0x0  }
0x82: {  	[sflag:s8] =	ssyncadd.s32 $0xFFFF8000  }
0x83: {  	_ =	swait.ge [sflag:s8], $0x100  }
.Ltmp2:
0x84: {  	[sflag:s8] =	ssyncset.done $0x0;
	(pc) =	sbr.rel @p3 .LBB2_2-.Ltmp2, $4  }
0x85: {  	[sflag:s8] =	ssyncadd.s32 $0xFFFFFF00  }
0x86: {  	[spmem:s1] =	stream.indirect.scatter.add.f32 [tilespmem:s30], [sflag:$0x3], $0x80, s31, s6, $0xb8;
	[tilespmem:$0x10408] =	vst v63  }
0x87: {  	_ =	swait.ge [sflag:s7], $0x8000  }
0x88: {  	[sflag:s7] =	ssyncset.done $0x0  }
0x89: {  	[sflag:s7] =	ssyncadd.s32 $0xFFFF8000  }
0x8a: {  	[tilespmem:s30], [sflag:$0x2] =	stream.linear.gather [hbm4b:s14+s2], $0x8000, $0x38;
	[tilespmem:$0x10408] =	vst v63  }
0x8b: {  	_ = 	snop  }
0x8c: {  	[tilespmem:s31], [sflag:$0x2] =	stream.linear.gather [hbm4b:s15+s2], $0x100, $0x38;
	[tilespmem:$0x10408] =	vst v63  }
0x8d: {  	_ =	swait.ge [sflag:s0], $0x8000  }
0x8e: {  	[sflag:s0] =	ssyncset.done $0x0  }
0x8f: {  	[sflag:s0] =	ssyncadd.s32 $0xFFFF8000  }
0x90: {  	_ =	swait.ge [sflag:s0], $0x100  }
0x91: {  	[sflag:s0] =	ssyncset.done $0x0  }
0x92: {  	[sflag:s0] =	ssyncadd.s32 $0xFFFFFF00  }
0x93: {  	[spmem:s1] =	stream.indirect.scatter.add.f32 [tilespmem:s2], [sflag:$0x3], $0x80, s29, s6, $0xb8;
	[tilespmem:$0x10408] =	vst v63  }
0x94: {  	_ =	swait.ge [sflag:s7], $0x8000  }
0x95: {  	[sflag:s7] =	ssyncset.done $0x0  }
0x96: {  	[sflag:s7] =	ssyncadd.s32 $0xFFFF8000  }
0x97: {  	_ =	swait.ge [sflag:s8], $0x8000  }
0x98: {  	[sflag:s8] =	ssyncset.done $0x0  }
0x99: {  	[sflag:s8] =	ssyncadd.s32 $0xFFFF8000  }
0x9a: {  	_ =	swait.ge [sflag:s8], $0x100  }
0x9b: {  	[sflag:s8] =	ssyncset.done $0x0  }
.Ltmp3:
0x9c: {  	[sflag:s8] =	ssyncadd.s32 $0xFFFFFF00;
	(pc) =	sbr.rel @p1 .LBB2_6-.Ltmp3, $4  }
0x9d: {  	[spmem:s1] =	stream.indirect.scatter.add.f32 [tilespmem:s30], [sflag:$0x3], $0x80, s31, s6, $0xb8;
	[tilespmem:$0x10408] =	vst v63  }
0x9e: {  	_ =	swait.ge [sflag:s7], $0x8000  }
0x9f: {  	[sflag:s7] =	ssyncset.done $0x0  }
0xa0: {  	[sflag:s7] =	ssyncadd.s32 $0xFFFF8000  }
.Ltmp4:
0xa1: {  	(pc) =	sbr.rel @p2 .LBB2_8-.Ltmp4, $1  }
0xa2: {  	_ =	sdelay $0x3  }
0xa3: {  	s11 =	rddreg [dreg:$0xa]  }
0xa4: {  	[tilespmem:s2], [sflag:$0x3] =	stream.linear.gather [hbm4b:s11+s2], $0x8000, $0x38;
	[tilespmem:$0x10408] =	vst v63  }
0xa5: {  	_ =	swait.ge [sflag:s7], $0x8000  }
0xa6: {  	[sflag:s7] =	ssyncset.done $0x0  }
0xa7: {  	s21 =	rddreg [dreg:$0xb];
	[sflag:s7] =	ssyncadd.s32 $0xFFFF8000  }
0xa8: {  	[tilespmem:s29], [sflag:$0x3] =	stream.linear.gather [hbm4b:s21+s2], $0x100, $0x38;
	[tilespmem:$0x10408] =	vst v63  }
0xa9: {  	_ =	swait.ge [sflag:s7], $0x100  }
0xaa: {  	[sflag:s7] =	ssyncset.done $0x0  }
0xab: {  	[sflag:s7] =	ssyncadd.s32 $0xFFFFFF00  }
0xac: {  	[spmem:s1] =	stream.indirect.scatter.add.f32 [tilespmem:s2], [sflag:$0x3], $0x80, s29, s6, $0xb8;
	[tilespmem:$0x10408] =	vst v63  }
0xad: {  	_ =	swait.ge [sflag:s7], $0x8000  }
0xae: {  	[sflag:s7] =	ssyncset.done $0x0  }
0xaf: {  	s22 =	rddreg [dreg:$0xc];
	[sflag:s7] =	ssyncadd.s32 $0xFFFF8000  }
0xb0: {  	[tilespmem:s2], [sflag:$0x3] =	stream.linear.gather [hbm4b:s22+s2], $0x8000, $0x38;
	[tilespmem:$0x10408] =	vst v63  }
0xb1: {  	_ =	swait.ge [sflag:s7], $0x8000  }
0xb2: {  	[sflag:s7] =	ssyncset.done $0x0  }
0xb3: {  	[sflag:s7] =	ssyncadd.s32 $0xFFFF8000  }
0xb4: {  	[tilespmem:s29], [sflag:$0x3] =	stream.linear.gather [hbm4b:s25+s2], $0x100, $0x38;
	[tilespmem:$0x10408] =	vst v63  }
0xb5: {  	_ =	swait.ge [sflag:s7], $0x100  }
0xb6: {  	[sflag:s7] =	ssyncset.done $0x0  }
0xb7: {  	[sflag:s7] =	ssyncadd.s32 $0xFFFFFF00  }
0xb8: {  	[spmem:s1] =	stream.indirect.scatter.add.f32 [tilespmem:s2], [sflag:$0x3], $0x80, s29, s6, $0xb8;
	[tilespmem:$0x10408] =	vst v63  }
0xb9: {  	_ =	swait.ge [sflag:s7], $0x8000  }
0xba: {  	[sflag:s7] =	ssyncset.done $0x0  }
0xbb: {  	s23 =	rddreg [dreg:$0xd];
	[sflag:s7] =	ssyncadd.s32 $0xFFFF8000  }
0xbc: {  	[tilespmem:s2], [sflag:$0x3] =	stream.linear.gather [hbm4b:s23+s2], $0x8000, $0x38;
	[tilespmem:$0x10408] =	vst v63  }
0xbd: {  	_ =	swait.ge [sflag:s7], $0x8000  }
0xbe: {  	[sflag:s7] =	ssyncset.done $0x0  }
0xbf: {  	[sflag:s7] =	ssyncadd.s32 $0xFFFF8000  }
0xc0: {  	[tilespmem:s29], [sflag:$0x3] =	stream.linear.gather [hbm4b:s26+s2], $0x100, $0x38;
	[tilespmem:$0x10408] =	vst v63  }
0xc1: {  	_ =	swait.ge [sflag:s7], $0x100  }
0xc2: {  	[sflag:s7] =	ssyncset.done $0x0  }
0xc3: {  	[sflag:s7] =	ssyncadd.s32 $0xFFFFFF00  }
0xc4: {  	[spmem:s1] =	stream.indirect.scatter.add.f32 [tilespmem:s2], [sflag:$0x3], $0x80, s29, s6, $0xb8;
	[tilespmem:$0x10408] =	vst v63  }
0xc5: {  	_ =	swait.ge [sflag:s7], $0x8000  }
0xc6: {  	[sflag:s7] =	ssyncset.done $0x0  }
.Ltmp5:
0xc7: {  	[sflag:s7] =	ssyncadd.s32 $0xFFFF8000;
	(pc) =	sbr.rel .LBB2_7-.Ltmp5, $4  }
0xc8: {  	[tilespmem:s2], [sflag:$0x3] =	stream.linear.gather [hbm4b:s24+s2], $0x8000, $0x38;
	[tilespmem:$0x10408] =	vst v63  }
0xc9: {  	_ =	swait.ge [sflag:s7], $0x8000  }
0xca: {  	[sflag:s7] =	ssyncset.done $0x0  }
0xcb: {  	s11 =	smov.u32 s28;
	[sflag:s7] =	ssyncadd.s32 $0xFFFF8000  }
.LBB2_9:
0xcc: {  	_ =	sfence.sel $0x180000  }
0xcd: {  	[bflag:$0x0] =	sbarrier.arrive $0xFFFF  }
0xce: {  	_ =	strace $0x90000047  }
0xcf: {  	[bflag:$0x2] =	sbarrier.arrive $0xFFFF  }
0xd0: {  	s0 =	rddreg [dreg:$0x3]  }
0xd1: {  	s0 =	sadd.s32 @!p0 $0x100000, s0  }
0xd2: {  	[sflag:s0] =	ssyncadd.tile.s32 @!p0 $0x1;
	_ =	shalt  }
.Lfunc_end2:
_tile_overlayer_lowered:
.L_overlay_start_2:
0xd3: {  	(tag) =	ssettag $0x2  }
0xd4: {  	s0 =	rddreg [dreg:$0x0];
	s2 =	stileid.u32  }
0xd5: {  	s1 =	rddreg [dreg:$0x1];
	p0 =	sne.s32 s2, $0x0  }
0xd6: {  	s3 =	rddreg [dreg:$0x2];
	[bflag:$0x3] =	sbarrier.arrive $0xFFFF;
	s2 =	simm.s32 @!p0 $0x1C03  }
0xd7: {  	[timem:s3], [sflag:s2] =	dma.local @!p0 [hbm:s0], s1  }
0xd8: {  	s0 =	simm.s32 @!p0 $0x3  }
0xd9: {  	_ =	swait.ge @!p0 [sflag:s0], s1  }
0xda: {  	s1 =	ssub.s32 @!p0 $0x0, s1;
	[sflag:s0] =	ssyncset.done @!p0 $0x0  }
0xdb: {  	[sflag:s0] =	ssyncadd.s32 @!p0 s1  }
0xdc: {  	[bflag:$0x3] =	sbarrier.arrive $0xFFFF  }
0xdd: {  	_ =	shalt  }

</sc_bundles>
